<compile_context>
chip_gen: v7x
topology: tpu7x:2x2x1
jax: 0.10.2.dev20260603
libtpu: 0.0.44.dev20260713+nightly
codegen_flags: <defaults>
</compile_context>

<pallas_src>
import functools

import jax
import jax.numpy as jnp
from jax import lax
from jax.experimental import pallas as pl
from jax.experimental.pallas import tpu as pltpu
from jax.experimental.pallas import tpu_sc as plsc

_Z_COEF = 0.001
_AUX_COEF = 0.01

_NG = 4
_T = 8192
_E = 64
_NTOK = _NG * _T
_NC = 2
_NS = 16
_NW = _NC * _NS
_TPW = _NTOK // _NW
_NB = _TPW // 16

_sc_mesh = plsc.VectorSubcoreMesh(core_axis_name="c", subcore_axis_name="s")


@functools.partial(
    pl.kernel,
    mesh=_sc_mesh,
    compiler_params=pltpu.CompilerParams(needs_layout_passes=False),
    out_type=jax.ShapeDtypeStruct((_NW, _E), jnp.float32),
    scratch_types=[
        pltpu.VMEM((_TPW * 2,), jnp.int32),
        pltpu.VMEM((_E,), jnp.float32),
    ],
)
def _sc_hist(idx_hbm, out_hbm, idxv, cnt):
    wid = lax.axis_index("s") * _NC + lax.axis_index("c")
    g = wid // (_T // _TPW)
    tb0 = (wid % (_T // _TPW)) * (_TPW // 128)
    base = g * 2 * _T + tb0 * 256
    pltpu.sync_copy(idx_hbm.at[pl.ds(base, _TPW * 2)], idxv)

    zeros16 = jnp.zeros((16,), jnp.float32)
    for j in range(_E // 16):
        cnt[pl.ds(j * 16, 16)] = zeros16

    ones16 = jnp.ones((16,), jnp.float32)
    for jb in range(_TPW // 128):
        for v in range(8):
            i1 = idxv[pl.ds(jb * 256 + v * 16, 16)]
            i2 = idxv[pl.ds(jb * 256 + 128 + v * 16, 16)]
            plsc.addupdate_scatter(cnt, [i1], ones16)
            plsc.addupdate_scatter(cnt, [i2], ones16, mask=i2 != i1)

    pltpu.sync_copy(cnt, out_hbm.at[wid])


_BT = 4096
_NBLK = _NTOK // _BT
_BPG = _T // _BT


def _dense_body(x_hbm, p_ref, z_ref, b0, b1, b2, s0, s1, s2):
    bufs = (b0, b1, b2)
    sems = (s0, s1, s2)

    def copy(g):
        return pltpu.make_async_copy(x_hbm.at[g], bufs[g % 3], sems[g % 3])

    copy(0).start()
    copy(1).start()
    z = jnp.float32(0.0)
    for g in range(_NG):
        if g + 2 < _NG:
            copy(g + 2).start()
        copy(g).wait()
        pacc = None
        for tb in range(_BPG):
            u = jnp.exp(bufs[g % 3][:, tb * _BT:(tb + 1) * _BT])
            s = jnp.sum(u, axis=0, keepdims=True)
            r = 1.0 / s
            pblk = lax.dot_general(r, u, (((1,), (1,)), ((), ())))
            pacc = pblk if pacc is None else pacc + pblk
            lz = jnp.log(s)
            z = z + jnp.sum(lz * lz)
        p_ref[g] = pacc
    z_ref[...] = jnp.full((1, 1), z, jnp.float32)


_dense = pl.pallas_call(
    _dense_body,
    in_specs=[pl.BlockSpec(memory_space=pltpu.MemorySpace.HBM)],
    out_specs=[
        pl.BlockSpec(memory_space=pltpu.VMEM),
        pl.BlockSpec(memory_space=pltpu.VMEM),
    ],
    out_shape=[
        jax.ShapeDtypeStruct((_NG, 1, _E), jnp.float32),
        jax.ShapeDtypeStruct((1, 1), jnp.float32),
    ],
    scratch_shapes=[
        pltpu.VMEM((_E, _T), jnp.float32),
        pltpu.VMEM((_E, _T), jnp.float32),
        pltpu.VMEM((_E, _T), jnp.float32),
        pltpu.SemaphoreType.DMA,
        pltpu.SemaphoreType.DMA,
        pltpu.SemaphoreType.DMA,
    ],
)


def _combine_body(p_ref, c_ref, z_ref, o_ref):
    acc = jnp.float32(0.0)
    for g in range(_NG):
        cg = jnp.sum(c_ref[8 * g:8 * (g + 1), :], axis=0, keepdims=True)
        acc = acc + jnp.sum(p_ref[g:g + 1, :] * cg)
    z = z_ref[0, 0]
    loss = (_Z_COEF * (z / _NTOK)
            + _AUX_COEF * 16.0 * acc / (float(_T) * float(_T)))
    o_ref[...] = jnp.full((1, 1), loss, jnp.float32)


_combine = pl.pallas_call(
    _combine_body,
    out_shape=jax.ShapeDtypeStruct((1, 1), jnp.float32),
)


def kernel(router_logits, expert_indexes):
    idx = (expert_indexes.reshape(_NG, _T // 128, 128, 2)
           .transpose(0, 1, 3, 2).reshape(_NTOK * 2))
    cnt = _sc_hist(idx.astype(jnp.int32))
    lt = pltpu.with_memory_space_constraint(
        router_logits.transpose(0, 2, 1), pltpu.MemorySpace.HBM)
    pp, zz = _dense(lt)
    out = _combine(pp.reshape(_NG, _E), cnt, zz)
    return out[0, 0]

# --- scband reference (transcript-rebuilt; emitter-appended) ---
"""Pipeline reference for scband-switch-router-loss-8400956031008 (READ-ONLY COPY).

The authoritative reference and input builder live on the scoring server;
editing this copy changes nothing except your own understanding.
"""

import jax, jax.numpy as jnp
import numpy as np

Z_LOSS_COEF = 0.001
AUX_LOSS_COEF = 0.01


def setup_inputs(seed: int = 0) -> dict:
    key = jax.random.key(seed)
    k1, k2 = jax.random.split(key)
    router_logits = jax.random.normal(k1, (4, 8192, 64), dtype=jnp.float32)
    expert_indexes = jax.random.randint(k2, (4, 8192, 2), 0, 64, dtype=jnp.int64 if jax.config.read('jax_enable_x64') else jnp.int32)
    return {"router_logits": router_logits, "expert_indexes": expert_indexes}


def _z_loss(router_logits):
    num_groups, tokens_per_group, _ = router_logits.shape
    log_z = jax.scipy.special.logsumexp(router_logits, axis=-1)
    z_loss = log_z ** 2
    return jnp.sum(z_loss) / (num_groups * tokens_per_group)


def _load_balancing_loss(router_probs, expert_indices):
    num_experts = router_probs.shape[-1]
    if expert_indices.ndim == 2:
        expert_indices = expert_indices[:, :, None]
    # one_hot -> [groups, tokens, top_k, E]; max over top_k axis (-2)
    expert_mask = jax.nn.one_hot(expert_indices, num_experts, dtype=jnp.float32)
    expert_mask = jnp.max(expert_mask, axis=-2)
    tokens_per_group_and_expert = jnp.mean(expert_mask, axis=-2)
    router_prob_per_group_and_expert = jnp.mean(router_probs, axis=-2)
    return jnp.mean(tokens_per_group_and_expert * router_prob_per_group_and_expert) * num_experts ** 2


def reference(router_logits, expert_indexes):
    # single router output, so _switch_unpack_router_logits concat is identity
    z_loss = _z_loss(router_logits)
    router_probs = jax.nn.softmax(router_logits, axis=-1)
    aux_loss = _load_balancing_loss(router_probs, expert_indexes)
    return Z_LOSS_COEF * z_loss + AUX_LOSS_COEF * aux_loss

if __name__ == "__main__":
    import jax
    _d = setup_inputs()
    print(jax.jit(kernel)(*tuple(_d.values())))

</pallas_src>

<mosaic_0001>
#map = affine_map<(d0, d1) -> (0)>
#map1 = affine_map<(d0, d1) -> (0, 0)>
module attributes {stable_mosaic.version = 14 : i64} {
  func.func @_sc_hist(%arg0: i32, %arg1: i32, %arg2: memref<65536xi32, #tpu.memory_space<hbm>>, %arg3: memref<32x64xf32, #tpu.memory_space<hbm>>, %arg4: memref<2048xi32, #tpu.memory_space<vmem>>, %arg5: memref<64xf32, #tpu.memory_space<vmem>>) attributes {dimension_semantics = [#tpu.dimension_semantics<core_parallel>, #tpu.dimension_semantics<subcore_parallel>], iteration_bounds = array<i64: 2, 16>, scalar_prefetch = 0 : i64, scratch_operands = 2 : i64, tpu.core_type = #tpu.core_type<sc_vector_subcore>, window_params = [{transform_indices = #map}, {transform_indices = #map1}]} {
    %mul3A = arith.constant 2 : i32
    %mul3A_0 = arith.muli %arg1, %mul3A : i32
    %add3A = arith.addi %mul3A_0, %arg0 : i32
    %jit3A = arith.constant 8 : i32
    %div3A = arith.divsi %add3A, %jit3A : i32
    %sign3A = arith.constant 0 : i32
    %sign3A_1 = arith.cmpi sgt, %add3A, %sign3A : i32
    %sign3A_2 = arith.extui %sign3A_1 : i1 to i32
    %sign3A_3 = arith.constant 0 : i32
    %sign3A_4 = arith.cmpi slt, %add3A, %sign3A_3 : i32
    %sign3A_5 = arith.extui %sign3A_4 : i1 to i32
    %sign3A_6 = arith.subi %sign3A_2, %sign3A_5 : i32
    %sign3A_7 = arith.constant 0 : i32
    %sign3A_8 = arith.cmpi sgt, %jit3A, %sign3A_7 : i32
    %sign3A_9 = arith.extui %sign3A_8 : i1 to i32
    %sign3A_10 = arith.constant 0 : i32
    %sign3A_11 = arith.cmpi slt, %jit3A, %sign3A_10 : i32
    %sign3A_12 = arith.extui %sign3A_11 : i1 to i32
    %sign3A_13 = arith.subi %sign3A_9, %sign3A_12 : i32
    %ne3A = arith.cmpi ne, %sign3A_6, %sign3A_13 : i32
    %rem3A = arith.remsi %add3A, %jit3A : i32
    %ne3A_14 = arith.constant 0 : i32
    %ne3A_15 = arith.cmpi ne, %rem3A, %ne3A_14 : i32
    %and3A = arith.andi %ne3A, %ne3A_15 : i1
    %sub3A = arith.constant 1 : i32
    %sub3A_16 = arith.subi %div3A, %sub3A : i32
    %select_n3A = arith.select %and3A, %sub3A_16, %div3A : i32
    %jit3A_17 = arith.constant 8 : i32
    %eq3A = arith.constant 0 : i32
    %eq3A_18 = arith.cmpi eq, %jit3A_17, %eq3A : i32
    %jit3A_19 = arith.constant 1 : i32
    %select_n3A_20 = arith.select %eq3A_18, %jit3A_19, %jit3A_17 : i32
    %rem3A_21 = arith.remsi %add3A, %select_n3A_20 : i32
    %ne3A_22 = arith.constant 0 : i32
    %ne3A_23 = arith.cmpi ne, %rem3A_21, %ne3A_22 : i32
    %lt3A = arith.constant 0 : i32
    %lt3A_24 = arith.cmpi slt, %rem3A_21, %lt3A : i32
    %lt3A_25 = arith.constant 0 : i32
    %lt3A_26 = arith.cmpi slt, %select_n3A_20, %lt3A_25 : i32
    %ne3A_27 = arith.xori %lt3A_24, %lt3A_26 : i1
    %and3A_28 = arith.andi %ne3A_27, %ne3A_23 : i1
    %add3A_29 = arith.addi %rem3A_21, %select_n3A_20 : i32
    %select_n3A_30 = arith.select %and3A_28, %add3A_29, %rem3A_21 : i32
    %mul3A_31 = arith.constant 8 : i32
    %mul3A_32 = arith.muli %select_n3A_30, %mul3A_31 : i32
    %mul3A_33 = arith.constant 2 : i32
    %mul3A_34 = arith.muli %select_n3A, %mul3A_33 : i32
    %mul3A_35 = arith.constant 8192 : i32
    %mul3A_36 = arith.muli %mul3A_34, %mul3A_35 : i32
    %mul3A_37 = arith.constant 256 : i32
    %mul3A_38 = arith.muli %mul3A_32, %mul3A_37 : i32
    %add3A_39 = arith.addi %mul3A_36, %mul3A_38 : i32
    "tpu.region"() ({
      %run_scoped3A = tpu.sem_alloc : memref<!tpu.dma_semaphore, #tpu.memory_space<semaphore_mem>>
      %dma_start3A = tpu.memref_slice %arg2[%add3A_39] : memref<65536xi32, #tpu.memory_space<hbm>> -> memref<2048xi32, #tpu.memory_space<hbm>>
      %dma_start3A_369 = tpu.memref_slice %arg2[%add3A_39] : memref<65536xi32, #tpu.memory_space<hbm>> -> memref<2048xi32, #tpu.memory_space<hbm>>
      tpu.enqueue_dma source(%dma_start3A_369 : memref<2048xi32, #tpu.memory_space<hbm>>) target(%arg4 : memref<2048xi32, #tpu.memory_space<vmem>>) target_semaphore(%run_scoped3A : memref<!tpu.dma_semaphore, #tpu.memory_space<semaphore_mem>>)
      %dma_wait3A = tpu.memref_slice %arg2[%add3A_39] : memref<65536xi32, #tpu.memory_space<hbm>> -> memref<2048xi32, #tpu.memory_space<hbm>>
      %dma_wait3A_370 = tpu.memref_slice %arg2[%add3A_39] : memref<65536xi32, #tpu.memory_space<hbm>> -> memref<2048xi32, #tpu.memory_space<hbm>>
      tpu.wait_dma2 semaphore(%run_scoped3A : memref<!tpu.dma_semaphore, #tpu.memory_space<semaphore_mem>>) src(%dma_wait3A_370 : memref<2048xi32, #tpu.memory_space<hbm>>) dst(%arg4 : memref<2048xi32, #tpu.memory_space<vmem>>)
      tpu.yield
    }) : () -> ()
    %broadcast_in_dim3A = arith.constant 0.000000e+00 : f32
    %broadcast_in_dim3A_40 = vector.broadcast %broadcast_in_dim3A : f32 to vector<16xf32>
    %swap3A = arith.constant 0 : index
    %swap3A_41 = tpu.vector_load %arg5[%swap3A] {strides = array<i32>} : memref<64xf32, #tpu.memory_space<vmem>>, vector<16xf32>,
    tpu.vector_store %arg5[%swap3A], %broadcast_in_dim3A_40 {strides = array<i32>} : memref<64xf32, #tpu.memory_space<vmem>>, vector<16xf32>,
    %swap3A_42 = arith.constant 16 : index
    %swap3A_43 = tpu.vector_load %arg5[%swap3A_42] {strides = array<i32>} : memref<64xf32, #tpu.memory_space<vmem>>, vector<16xf32>,
    tpu.vector_store %arg5[%swap3A_42], %broadcast_in_dim3A_40 {strides = array<i32>} : memref<64xf32, #tpu.memory_space<vmem>>, vector<16xf32>,
    %swap3A_44 = arith.constant 32 : index
    %swap3A_45 = tpu.vector_load %arg5[%swap3A_44] {strides = array<i32>} : memref<64xf32, #tpu.memory_space<vmem>>, vector<16xf32>,
    tpu.vector_store %arg5[%swap3A_44], %broadcast_in_dim3A_40 {strides = array<i32>} : memref<64xf32, #tpu.memory_space<vmem>>, vector<16xf32>,
    %swap3A_46 = arith.constant 48 : index
    %swap3A_47 = tpu.vector_load %arg5[%swap3A_46] {strides = array<i32>} : memref<64xf32, #tpu.memory_space<vmem>>, vector<16xf32>,
    tpu.vector_store %arg5[%swap3A_46], %broadcast_in_dim3A_40 {strides = array<i32>} : memref<64xf32, #tpu.memory_space<vmem>>, vector<16xf32>,
    %broadcast_in_dim3A_48 = arith.constant 1.000000e+00 : f32
    %broadcast_in_dim3A_49 = vector.broadcast %broadcast_in_dim3A_48 : f32 to vector<16xf32>
    %get3A = arith.constant 0 : index
    %get3A_50 = tpu.vector_load %arg4[%get3A] {strides = array<i32>} : memref<2048xi32, #tpu.memory_space<vmem>>, vector<16xi32>,
    %get3A_51 = arith.constant 128 : index
    %get3A_52 = tpu.vector_load %arg4[%get3A_51] {strides = array<i32>} : memref<2048xi32, #tpu.memory_space<vmem>>, vector<16xi32>,
    tpu.vector_store_idx %arg5[%get3A_50], %broadcast_in_dim3A_49 {add = true} : memref<64xf32, #tpu.memory_space<vmem>>[vector<16xi32>], vector<16xf32>,
    %ne3A_53 = arith.cmpi ne, %get3A_52, %get3A_50 : vector<16xi32>
    tpu.vector_store_idx %arg5[%get3A_52], %broadcast_in_dim3A_49 masked %ne3A_53 {add = true} : memref<64xf32, #tpu.memory_space<vmem>>[vector<16xi32>], vector<16xf32>, vector<16xi1>
    %get3A_54 = arith.constant 16 : index
    %get3A_55 = tpu.vector_load %arg4[%get3A_54] {strides = array<i32>} : memref<2048xi32, #tpu.memory_space<vmem>>, vector<16xi32>,
    %get3A_56 = arith.constant 144 : index
    %get3A_57 = tpu.vector_load %arg4[%get3A_56] {strides = array<i32>} : memref<2048xi32, #tpu.memory_space<vmem>>, vector<16xi32>,
    tpu.vector_store_idx %arg5[%get3A_55], %broadcast_in_dim3A_49 {add = true} : memref<64xf32, #tpu.memory_space<vmem>>[vector<16xi32>], vector<16xf32>,
    %ne3A_58 = arith.cmpi ne, %get3A_57, %get3A_55 : vector<16xi32>
    tpu.vector_store_idx %arg5[%get3A_57], %broadcast_in_dim3A_49 masked %ne3A_58 {add = true} : memref<64xf32, #tpu.memory_space<vmem>>[vector<16xi32>], vector<16xf32>, vector<16xi1>
    %get3A_59 = arith.constant 32 : index
    %get3A_60 = tpu.vector_load %arg4[%get3A_59] {strides = array<i32>} : memref<2048xi32, #tpu.memory_space<vmem>>, vector<16xi32>,
    %get3A_61 = arith.constant 160 : index
    %get3A_62 = tpu.vector_load %arg4[%get3A_61] {strides = array<i32>} : memref<2048xi32, #tpu.memory_space<vmem>>, vector<16xi32>,
    tpu.vector_store_idx %arg5[%get3A_60], %broadcast_in_dim3A_49 {add = true} : memref<64xf32, #tpu.memory_space<vmem>>[vector<16xi32>], vector<16xf32>,
    %ne3A_63 = arith.cmpi ne, %get3A_62, %get3A_60 : vector<16xi32>
    tpu.vector_store_idx %arg5[%get3A_62], %broadcast_in_dim3A_49 masked %ne3A_63 {add = true} : memref<64xf32, #tpu.memory_space<vmem>>[vector<16xi32>], vector<16xf32>, vector<16xi1>
    %get3A_64 = arith.constant 48 : index
    %get3A_65 = tpu.vector_load %arg4[%get3A_64] {strides = array<i32>} : memref<2048xi32, #tpu.memory_space<vmem>>, vector<16xi32>,
    %get3A_66 = arith.constant 176 : index
    %get3A_67 = tpu.vector_load %arg4[%get3A_66] {strides = array<i32>} : memref<2048xi32, #tpu.memory_space<vmem>>, vector<16xi32>,
    tpu.vector_store_idx %arg5[%get3A_65], %broadcast_in_dim3A_49 {add = true} : memref<64xf32, #tpu.memory_space<vmem>>[vector<16xi32>], vector<16xf32>,
    %ne3A_68 = arith.cmpi ne, %get3A_67, %get3A_65 : vector<16xi32>
    tpu.vector_store_idx %arg5[%get3A_67], %broadcast_in_dim3A_49 masked %ne3A_68 {add = true} : memref<64xf32, #tpu.memory_space<vmem>>[vector<16xi32>], vector<16xf32>, vector<16xi1>
    %get3A_69 = arith.constant 64 : index
    %get3A_70 = tpu.vector_load %arg4[%get3A_69] {strides = array<i32>} : memref<2048xi32, #tpu.memory_space<vmem>>, vector<16xi32>,
    %get3A_71 = arith.constant 192 : index
    %get3A_72 = tpu.vector_load %arg4[%get3A_71] {strides = array<i32>} : memref<2048xi32, #tpu.memory_space<vmem>>, vector<16xi32>,
    tpu.vector_store_idx %arg5[%get3A_70], %broadcast_in_dim3A_49 {add = true} : memref<64xf32, #tpu.memory_space<vmem>>[vector<16xi32>], vector<16xf32>,
    %ne3A_73 = arith.cmpi ne, %get3A_72, %get3A_70 : vector<16xi32>
    tpu.vector_store_idx %arg5[%get3A_72], %broadcast_in_dim3A_49 masked %ne3A_73 {add = true} : memref<64xf32, #tpu.memory_space<vmem>>[vector<16xi32>], vector<16xf32>, vector<16xi1>
    %get3A_74 = arith.constant 80 : index
    %get3A_75 = tpu.vector_load %arg4[%get3A_74] {strides = array<i32>} : memref<2048xi32, #tpu.memory_space<vmem>>, vector<16xi32>,
    %get3A_76 = arith.constant 208 : index
    %get3A_77 = tpu.vector_load %arg4[%get3A_76] {strides = array<i32>} : memref<2048xi32, #tpu.memory_space<vmem>>, vector<16xi32>,
    tpu.vector_store_idx %arg5[%get3A_75], %broadcast_in_dim3A_49 {add = true} : memref<64xf32, #tpu.memory_space<vmem>>[vector<16xi32>], vector<16xf32>,
    %ne3A_78 = arith.cmpi ne, %get3A_77, %get3A_75 : vector<16xi32>
    tpu.vector_store_idx %arg5[%get3A_77], %broadcast_in_dim3A_49 masked %ne3A_78 {add = true} : memref<64xf32, #tpu.memory_space<vmem>>[vector<16xi32>], vector<16xf32>, vector<16xi1>
    %get3A_79 = arith.constant 96 : index
    %get3A_80 = tpu.vector_load %arg4[%get3A_79] {strides = array<i32>} : memref<2048xi32, #tpu.memory_space<vmem>>, vector<16xi32>,
    %get3A_81 = arith.constant 224 : index
    %get3A_82 = tpu.vector_load %arg4[%get3A_81] {strides = array<i32>} : memref<2048xi32, #tpu.memory_space<vmem>>, vector<16xi32>,
    tpu.vector_store_idx %arg5[%get3A_80], %broadcast_in_dim3A_49 {add = true} : memref<64xf32, #tpu.memory_space<vmem>>[vector<16xi32>], vector<16xf32>,
    %ne3A_83 = arith.cmpi ne, %get3A_82, %get3A_80 : vector<16xi32>
    tpu.vector_store_idx %arg5[%get3A_82], %broadcast_in_dim3A_49 masked %ne3A_83 {add = true} : memref<64xf32, #tpu.memory_space<vmem>>[vector<16xi32>], vector<16xf32>, vector<16xi1>
    %get3A_84 = arith.constant 112 : index
    %get3A_85 = tpu.vector_load %arg4[%get3A_84] {strides = array<i32>} : memref<2048xi32, #tpu.memory_space<vmem>>, vector<16xi32>,
    %get3A_86 = arith.constant 240 : index
    %get3A_87 = tpu.vector_load %arg4[%get3A_86] {strides = array<i32>} : memref<2048xi32, #tpu.memory_space<vmem>>, vector<16xi32>,
    tpu.vector_store_idx %arg5[%get3A_85], %broadcast_in_dim3A_49 {add = true} : memref<64xf32, #tpu.memory_space<vmem>>[vector<16xi32>], vector<16xf32>,
    %ne3A_88 = arith.cmpi ne, %get3A_87, %get3A_85 : vector<16xi32>
    tpu.vector_store_idx %arg5[%get3A_87], %broadcast_in_dim3A_49 masked %ne3A_88 {add = true} : memref<64xf32, #tpu.memory_space<vmem>>[vector<16xi32>], vector<16xf32>, vector<16xi1>
    %get3A_89 = arith.constant 256 : index
    %get3A_90 = tpu.vector_load %arg4[%get3A_89] {strides = array<i32>} : memref<2048xi32, #tpu.memory_space<vmem>>, vector<16xi32>,
    %get3A_91 = arith.constant 384 : index
    %get3A_92 = tpu.vector_load %arg4[%get3A_91] {strides = array<i32>} : memref<2048xi32, #tpu.memory_space<vmem>>, vector<16xi32>,
    tpu.vector_store_idx %arg5[%get3A_90], %broadcast_in_dim3A_49 {add = true} : memref<64xf32, #tpu.memory_space<vmem>>[vector<16xi32>], vector<16xf32>,
    %ne3A_93 = arith.cmpi ne, %get3A_92, %get3A_90 : vector<16xi32>
    tpu.vector_store_idx %arg5[%get3A_92], %broadcast_in_dim3A_49 masked %ne3A_93 {add = true} : memref<64xf32, #tpu.memory_space<vmem>>[vector<16xi32>], vector<16xf32>, vector<16xi1>
    %get3A_94 = arith.constant 272 : index
    %get3A_95 = tpu.vector_load %arg4[%get3A_94] {strides = array<i32>} : memref<2048xi32, #tpu.memory_space<vmem>>, vector<16xi32>,
    %get3A_96 = arith.constant 400 : index
    %get3A_97 = tpu.vector_load %arg4[%get3A_96] {strides = array<i32>} : memref<2048xi32, #tpu.memory_space<vmem>>, vector<16xi32>,
    tpu.vector_store_idx %arg5[%get3A_95], %broadcast_in_dim3A_49 {add = true} : memref<64xf32, #tpu.memory_space<vmem>>[vector<16xi32>], vector<16xf32>,
    %ne3A_98 = arith.cmpi ne, %get3A_97, %get3A_95 : vector<16xi32>
    tpu.vector_store_idx %arg5[%get3A_97], %broadcast_in_dim3A_49 masked %ne3A_98 {add = true} : memref<64xf32, #tpu.memory_space<vmem>>[vector<16xi32>], vector<16xf32>, vector<16xi1>
    %get3A_99 = arith.constant 288 : index
    %get3A_100 = tpu.vector_load %arg4[%get3A_99] {strides = array<i32>} : memref<2048xi32, #tpu.memory_space<vmem>>, vector<16xi32>,
    %get3A_101 = arith.constant 416 : index
    %get3A_102 = tpu.vector_load %arg4[%get3A_101] {strides = array<i32>} : memref<2048xi32, #tpu.memory_space<vmem>>, vector<16xi32>,
    tpu.vector_store_idx %arg5[%get3A_100], %broadcast_in_dim3A_49 {add = true} : memref<64xf32, #tpu.memory_space<vmem>>[vector<16xi32>], vector<16xf32>,
    %ne3A_103 = arith.cmpi ne, %get3A_102, %get3A_100 : vector<16xi32>
    tpu.vector_store_idx %arg5[%get3A_102], %broadcast_in_dim3A_49 masked %ne3A_103 {add = true} : memref<64xf32, #tpu.memory_space<vmem>>[vector<16xi32>], vector<16xf32>, vector<16xi1>
    %get3A_104 = arith.constant 304 : index
    %get3A_105 = tpu.vector_load %arg4[%get3A_104] {strides = array<i32>} : memref<2048xi32, #tpu.memory_space<vmem>>, vector<16xi32>,
    %get3A_106 = arith.constant 432 : index
    %get3A_107 = tpu.vector_load %arg4[%get3A_106] {strides = array<i32>} : memref<2048xi32, #tpu.memory_space<vmem>>, vector<16xi32>,
    tpu.vector_store_idx %arg5[%get3A_105], %broadcast_in_dim3A_49 {add = true} : memref<64xf32, #tpu.memory_space<vmem>>[vector<16xi32>], vector<16xf32>,
    %ne3A_108 = arith.cmpi ne, %get3A_107, %get3A_105 : vector<16xi32>
    tpu.vector_store_idx %arg5[%get3A_107], %broadcast_in_dim3A_49 masked %ne3A_108 {add = true} : memref<64xf32, #tpu.memory_space<vmem>>[vector<16xi32>], vector<16xf32>, vector<16xi1>
    %get3A_109 = arith.constant 320 : index
    %get3A_110 = tpu.vector_load %arg4[%get3A_109] {strides = array<i32>} : memref<2048xi32, #tpu.memory_space<vmem>>, vector<16xi32>,
    %get3A_111 = arith.constant 448 : index
    %get3A_112 = tpu.vector_load %arg4[%get3A_111] {strides = array<i32>} : memref<2048xi32, #tpu.memory_space<vmem>>, vector<16xi32>,
    tpu.vector_store_idx %arg5[%get3A_110], %broadcast_in_dim3A_49 {add = true} : memref<64xf32, #tpu.memory_space<vmem>>[vector<16xi32>], vector<16xf32>,
    %ne3A_113 = arith.cmpi ne, %get3A_112, %get3A_110 : vector<16xi32>
    tpu.vector_store_idx %arg5[%get3A_112], %broadcast_in_dim3A_49 masked %ne3A_113 {add = true} : memref<64xf32, #tpu.memory_space<vmem>>[vector<16xi32>], vector<16xf32>, vector<16xi1>
    %get3A_114 = arith.constant 336 : index
    %get3A_115 = tpu.vector_load %arg4[%get3A_114] {strides = array<i32>} : memref<2048xi32, #tpu.memory_space<vmem>>, vector<16xi32>,
    %get3A_116 = arith.constant 464 : index
    %get3A_117 = tpu.vector_load %arg4[%get3A_116] {strides = array<i32>} : memref<2048xi32, #tpu.memory_space<vmem>>, vector<16xi32>,
    tpu.vector_store_idx %arg5[%get3A_115], %broadcast_in_dim3A_49 {add = true} : memref<64xf32, #tpu.memory_space<vmem>>[vector<16xi32>], vector<16xf32>,
    %ne3A_118 = arith.cmpi ne, %get3A_117, %get3A_115 : vector<16xi32>
    tpu.vector_store_idx %arg5[%get3A_117], %broadcast_in_dim3A_49 masked %ne3A_118 {add = true} : memref<64xf32, #tpu.memory_space<vmem>>[vector<16xi32>], vector<16xf32>, vector<16xi1>
    %get3A_119 = arith.constant 352 : index
    %get3A_120 = tpu.vector_load %arg4[%get3A_119] {strides = array<i32>} : memref<2048xi32, #tpu.memory_space<vmem>>, vector<16xi32>,
    %get3A_121 = arith.constant 480 : index
    %get3A_122 = tpu.vector_load %arg4[%get3A_121] {strides = array<i32>} : memref<2048xi32, #tpu.memory_space<vmem>>, vector<16xi32>,
    tpu.vector_store_idx %arg5[%get3A_120], %broadcast_in_dim3A_49 {add = true} : memref<64xf32, #tpu.memory_space<vmem>>[vector<16xi32>], vector<16xf32>,
    %ne3A_123 = arith.cmpi ne, %get3A_122, %get3A_120 : vector<16xi32>
    tpu.vector_store_idx %arg5[%get3A_122], %broadcast_in_dim3A_49 masked %ne3A_123 {add = true} : memref<64xf32, #tpu.memory_space<vmem>>[vector<16xi32>], vector<16xf32>, vector<16xi1>
    %get3A_124 = arith.constant 368 : index
    %get3A_125 = tpu.vector_load %arg4[%get3A_124] {strides = array<i32>} : memref<2048xi32, #tpu.memory_space<vmem>>, vector<16xi32>,
    %get3A_126 = arith.constant 496 : index
    %get3A_127 = tpu.vector_load %arg4[%get3A_126] {strides = array<i32>} : memref<2048xi32, #tpu.memory_space<vmem>>, vector<16xi32>,
    tpu.vector_store_idx %arg5[%get3A_125], %broadcast_in_dim3A_49 {add = true} : memref<64xf32, #tpu.memory_space<vmem>>[vector<16xi32>], vector<16xf32>,
    %ne3A_128 = arith.cmpi ne, %get3A_127, %get3A_125 : vector<16xi32>
    tpu.vector_store_idx %arg5[%get3A_127], %broadcast_in_dim3A_49 masked %ne3A_128 {add = true} : memref<64xf32, #tpu.memory_space<vmem>>[vector<16xi32>], vector<16xf32>, vector<16xi1>
    %get3A_129 = arith.constant 512 : index
    %get3A_130 = tpu.vector_load %arg4[%get3A_129] {strides = array<i32>} : memref<2048xi32, #tpu.memory_space<vmem>>, vector<16xi32>,
    %get3A_131 = arith.constant 640 : index
    %get3A_132 = tpu.vector_load %arg4[%get3A_131] {strides = array<i32>} : memref<2048xi32, #tpu.memory_space<vmem>>, vector<16xi32>,
    tpu.vector_store_idx %arg5[%get3A_130], %broadcast_in_dim3A_49 {add = true} : memref<64xf32, #tpu.memory_space<vmem>>[vector<16xi32>], vector<16xf32>,
    %ne3A_133 = arith.cmpi ne, %get3A_132, %get3A_130 : vector<16xi32>
    tpu.vector_store_idx %arg5[%get3A_132], %broadcast_in_dim3A_49 masked %ne3A_133 {add = true} : memref<64xf32, #tpu.memory_space<vmem>>[vector<16xi32>], vector<16xf32>, vector<16xi1>
    %get3A_134 = arith.constant 528 : index
    %get3A_135 = tpu.vector_load %arg4[%get3A_134] {strides = array<i32>} : memref<2048xi32, #tpu.memory_space<vmem>>, vector<16xi32>,
    %get3A_136 = arith.constant 656 : index
    %get3A_137 = tpu.vector_load %arg4[%get3A_136] {strides = array<i32>} : memref<2048xi32, #tpu.memory_space<vmem>>, vector<16xi32>,
    tpu.vector_store_idx %arg5[%get3A_135], %broadcast_in_dim3A_49 {add = true} : memref<64xf32, #tpu.memory_space<vmem>>[vector<16xi32>], vector<16xf32>,
    %ne3A_138 = arith.cmpi ne, %get3A_137, %get3A_135 : vector<16xi32>
    tpu.vector_store_idx %arg5[%get3A_137], %broadcast_in_dim3A_49 masked %ne3A_138 {add = true} : memref<64xf32, #tpu.memory_space<vmem>>[vector<16xi32>], vector<16xf32>, vector<16xi1>
    %get3A_139 = arith.constant 544 : index
    %get3A_140 = tpu.vector_load %arg4[%get3A_139] {strides = array<i32>} : memref<2048xi32, #tpu.memory_space<vmem>>, vector<16xi32>,
    %get3A_141 = arith.constant 672 : index
    %get3A_142 = tpu.vector_load %arg4[%get3A_141] {strides = array<i32>} : memref<2048xi32, #tpu.memory_space<vmem>>, vector<16xi32>,
    tpu.vector_store_idx %arg5[%get3A_140], %broadcast_in_dim3A_49 {add = true} : memref<64xf32, #tpu.memory_space<vmem>>[vector<16xi32>], vector<16xf32>,
    %ne3A_143 = arith.cmpi ne, %get3A_142, %get3A_140 : vector<16xi32>
    tpu.vector_store_idx %arg5[%get3A_142], %broadcast_in_dim3A_49 masked %ne3A_143 {add = true} : memref<64xf32, #tpu.memory_space<vmem>>[vector<16xi32>], vector<16xf32>, vector<16xi1>
    %get3A_144 = arith.constant 560 : index
    %get3A_145 = tpu.vector_load %arg4[%get3A_144] {strides = array<i32>} : memref<2048xi32, #tpu.memory_space<vmem>>, vector<16xi32>,
    %get3A_146 = arith.constant 688 : index
    %get3A_147 = tpu.vector_load %arg4[%get3A_146] {strides = array<i32>} : memref<2048xi32, #tpu.memory_space<vmem>>, vector<16xi32>,
    tpu.vector_store_idx %arg5[%get3A_145], %broadcast_in_dim3A_49 {add = true} : memref<64xf32, #tpu.memory_space<vmem>>[vector<16xi32>], vector<16xf32>,
    %ne3A_148 = arith.cmpi ne, %get3A_147, %get3A_145 : vector<16xi32>
    tpu.vector_store_idx %arg5[%get3A_147], %broadcast_in_dim3A_49 masked %ne3A_148 {add = true} : memref<64xf32, #tpu.memory_space<vmem>>[vector<16xi32>], vector<16xf32>, vector<16xi1>
    %get3A_149 = arith.constant 576 : index
    %get3A_150 = tpu.vector_load %arg4[%get3A_149] {strides = array<i32>} : memref<2048xi32, #tpu.memory_space<vmem>>, vector<16xi32>,
    %get3A_151 = arith.constant 704 : index
    %get3A_152 = tpu.vector_load %arg4[%get3A_151] {strides = array<i32>} : memref<2048xi32, #tpu.memory_space<vmem>>, vector<16xi32>,
    tpu.vector_store_idx %arg5[%get3A_150], %broadcast_in_dim3A_49 {add = true} : memref<64xf32, #tpu.memory_space<vmem>>[vector<16xi32>], vector<16xf32>,
    %ne3A_153 = arith.cmpi ne, %get3A_152, %get3A_150 : vector<16xi32>
    tpu.vector_store_idx %arg5[%get3A_152], %broadcast_in_dim3A_49 masked %ne3A_153 {add = true} : memref<64xf32, #tpu.memory_space<vmem>>[vector<16xi32>], vector<16xf32>, vector<16xi1>
    %get3A_154 = arith.constant 592 : index
    %get3A_155 = tpu.vector_load %arg4[%get3A_154] {strides = array<i32>} : memref<2048xi32, #tpu.memory_space<vmem>>, vector<16xi32>,
    %get3A_156 = arith.constant 720 : index
    %get3A_157 = tpu.vector_load %arg4[%get3A_156] {strides = array<i32>} : memref<2048xi32, #tpu.memory_space<vmem>>, vector<16xi32>,
    tpu.vector_store_idx %arg5[%get3A_155], %broadcast_in_dim3A_49 {add = true} : memref<64xf32, #tpu.memory_space<vmem>>[vector<16xi32>], vector<16xf32>,
    %ne3A_158 = arith.cmpi ne, %get3A_157, %get3A_155 : vector<16xi32>
    tpu.vector_store_idx %arg5[%get3A_157], %broadcast_in_dim3A_49 masked %ne3A_158 {add = true} : memref<64xf32, #tpu.memory_space<vmem>>[vector<16xi32>], vector<16xf32>, vector<16xi1>
    %get3A_159 = arith.constant 608 : index
    %get3A_160 = tpu.vector_load %arg4[%get3A_159] {strides = array<i32>} : memref<2048xi32, #tpu.memory_space<vmem>>, vector<16xi32>,
    %get3A_161 = arith.constant 736 : index
    %get3A_162 = tpu.vector_load %arg4[%get3A_161] {strides = array<i32>} : memref<2048xi32, #tpu.memory_space<vmem>>, vector<16xi32>,
    tpu.vector_store_idx %arg5[%get3A_160], %broadcast_in_dim3A_49 {add = true} : memref<64xf32, #tpu.memory_space<vmem>>[vector<16xi32>], vector<16xf32>,
    %ne3A_163 = arith.cmpi ne, %get3A_162, %get3A_160 : vector<16xi32>
    tpu.vector_store_idx %arg5[%get3A_162], %broadcast_in_dim3A_49 masked %ne3A_163 {add = true} : memref<64xf32, #tpu.memory_space<vmem>>[vector<16xi32>], vector<16xf32>, vector<16xi1>
    %get3A_164 = arith.constant 624 : index
    %get3A_165 = tpu.vector_load %arg4[%get3A_164] {strides = array<i32>} : memref<2048xi32, #tpu.memory_space<vmem>>, vector<16xi32>,
    %get3A_166 = arith.constant 752 : index
    %get3A_167 = tpu.vector_load %arg4[%get3A_166] {strides = array<i32>} : memref<2048xi32, #tpu.memory_space<vmem>>, vector<16xi32>,
    tpu.vector_store_idx %arg5[%get3A_165], %broadcast_in_dim3A_49 {add = true} : memref<64xf32, #tpu.memory_space<vmem>>[vector<16xi32>], vector<16xf32>,
    %ne3A_168 = arith.cmpi ne, %get3A_167, %get3A_165 : vector<16xi32>
    tpu.vector_store_idx %arg5[%get3A_167], %broadcast_in_dim3A_49 masked %ne3A_168 {add = true} : memref<64xf32, #tpu.memory_space<vmem>>[vector<16xi32>], vector<16xf32>, vector<16xi1>
    %get3A_169 = arith.constant 768 : index
    %get3A_170 = tpu.vector_load %arg4[%get3A_169] {strides = array<i32>} : memref<2048xi32, #tpu.memory_space<vmem>>, vector<16xi32>,
    %get3A_171 = arith.constant 896 : index
    %get3A_172 = tpu.vector_load %arg4[%get3A_171] {strides = array<i32>} : memref<2048xi32, #tpu.memory_space<vmem>>, vector<16xi32>,
    tpu.vector_store_idx %arg5[%get3A_170], %broadcast_in_dim3A_49 {add = true} : memref<64xf32, #tpu.memory_space<vmem>>[vector<16xi32>], vector<16xf32>,
    %ne3A_173 = arith.cmpi ne, %get3A_172, %get3A_170 : vector<16xi32>
    tpu.vector_store_idx %arg5[%get3A_172], %broadcast_in_dim3A_49 masked %ne3A_173 {add = true} : memref<64xf32, #tpu.memory_space<vmem>>[vector<16xi32>], vector<16xf32>, vector<16xi1>
    %get3A_174 = arith.constant 784 : index
    %get3A_175 = tpu.vector_load %arg4[%get3A_174] {strides = array<i32>} : memref<2048xi32, #tpu.memory_space<vmem>>, vector<16xi32>,
    %get3A_176 = arith.constant 912 : index
    %get3A_177 = tpu.vector_load %arg4[%get3A_176] {strides = array<i32>} : memref<2048xi32, #tpu.memory_space<vmem>>, vector<16xi32>,
    tpu.vector_store_idx %arg5[%get3A_175], %broadcast_in_dim3A_49 {add = true} : memref<64xf32, #tpu.memory_space<vmem>>[vector<16xi32>], vector<16xf32>,
    %ne3A_178 = arith.cmpi ne, %get3A_177, %get3A_175 : vector<16xi32>
    tpu.vector_store_idx %arg5[%get3A_177], %broadcast_in_dim3A_49 masked %ne3A_178 {add = true} : memref<64xf32, #tpu.memory_space<vmem>>[vector<16xi32>], vector<16xf32>, vector<16xi1>
    %get3A_179 = arith.constant 800 : index
    %get3A_180 = tpu.vector_load %arg4[%get3A_179] {strides = array<i32>} : memref<2048xi32, #tpu.memory_space<vmem>>, vector<16xi32>,
    %get3A_181 = arith.constant 928 : index
    %get3A_182 = tpu.vector_load %arg4[%get3A_181] {strides = array<i32>} : memref<2048xi32, #tpu.memory_space<vmem>>, vector<16xi32>,
    tpu.vector_store_idx %arg5[%get3A_180], %broadcast_in_dim3A_49 {add = true} : memref<64xf32, #tpu.memory_space<vmem>>[vector<16xi32>], vector<16xf32>,
    %ne3A_183 = arith.cmpi ne, %get3A_182, %get3A_180 : vector<16xi32>
    tpu.vector_store_idx %arg5[%get3A_182], %broadcast_in_dim3A_49 masked %ne3A_183 {add = true} : memref<64xf32, #tpu.memory_space<vmem>>[vector<16xi32>], vector<16xf32>, vector<16xi1>
    %get3A_184 = arith.constant 816 : index
    %get3A_185 = tpu.vector_load %arg4[%get3A_184] {strides = array<i32>} : memref<2048xi32, #tpu.memory_space<vmem>>, vector<16xi32>,
    %get3A_186 = arith.constant 944 : index
    %get3A_187 = tpu.vector_load %arg4[%get3A_186] {strides = array<i32>} : memref<2048xi32, #tpu.memory_space<vmem>>, vector<16xi32>,
    tpu.vector_store_idx %arg5[%get3A_185], %broadcast_in_dim3A_49 {add = true} : memref<64xf32, #tpu.memory_space<vmem>>[vector<16xi32>], vector<16xf32>,
    %ne3A_188 = arith.cmpi ne, %get3A_187, %get3A_185 : vector<16xi32>
    tpu.vector_store_idx %arg5[%get3A_187], %broadcast_in_dim3A_49 masked %ne3A_188 {add = true} : memref<64xf32, #tpu.memory_space<vmem>>[vector<16xi32>], vector<16xf32>, vector<16xi1>
    %get3A_189 = arith.constant 832 : index
    %get3A_190 = tpu.vector_load %arg4[%get3A_189] {strides = array<i32>} : memref<2048xi32, #tpu.memory_space<vmem>>, vector<16xi32>,
    %get3A_191 = arith.constant 960 : index
    %get3A_192 = tpu.vector_load %arg4[%get3A_191] {strides = array<i32>} : memref<2048xi32, #tpu.memory_space<vmem>>, vector<16xi32>,
    tpu.vector_store_idx %arg5[%get3A_190], %broadcast_in_dim3A_49 {add = true} : memref<64xf32, #tpu.memory_space<vmem>>[vector<16xi32>], vector<16xf32>,
    %ne3A_193 = arith.cmpi ne, %get3A_192, %get3A_190 : vector<16xi32>
    tpu.vector_store_idx %arg5[%get3A_192], %broadcast_in_dim3A_49 masked %ne3A_193 {add = true} : memref<64xf32, #tpu.memory_space<vmem>>[vector<16xi32>], vector<16xf32>, vector<16xi1>
    %get3A_194 = arith.constant 848 : index
    %get3A_195 = tpu.vector_load %arg4[%get3A_194] {strides = array<i32>} : memref<2048xi32, #tpu.memory_space<vmem>>, vector<16xi32>,
    %get3A_196 = arith.constant 976 : index
    %get3A_197 = tpu.vector_load %arg4[%get3A_196] {strides = array<i32>} : memref<2048xi32, #tpu.memory_space<vmem>>, vector<16xi32>,
    tpu.vector_store_idx %arg5[%get3A_195], %broadcast_in_dim3A_49 {add = true} : memref<64xf32, #tpu.memory_space<vmem>>[vector<16xi32>], vector<16xf32>,
    %ne3A_198 = arith.cmpi ne, %get3A_197, %get3A_195 : vector<16xi32>
    tpu.vector_store_idx %arg5[%get3A_197], %broadcast_in_dim3A_49 masked %ne3A_198 {add = true} : memref<64xf32, #tpu.memory_space<vmem>>[vector<16xi32>], vector<16xf32>, vector<16xi1>
    %get3A_199 = arith.constant 864 : index
    %get3A_200 = tpu.vector_load %arg4[%get3A_199] {strides = array<i32>} : memref<2048xi32, #tpu.memory_space<vmem>>, vector<16xi32>,
    %get3A_201 = arith.constant 992 : index
    %get3A_202 = tpu.vector_load %arg4[%get3A_201] {strides = array<i32>} : memref<2048xi32, #tpu.memory_space<vmem>>, vector<16xi32>,
    tpu.vector_store_idx %arg5[%get3A_200], %broadcast_in_dim3A_49 {add = true} : memref<64xf32, #tpu.memory_space<vmem>>[vector<16xi32>], vector<16xf32>,
    %ne3A_203 = arith.cmpi ne, %get3A_202, %get3A_200 : vector<16xi32>
    tpu.vector_store_idx %arg5[%get3A_202], %broadcast_in_dim3A_49 masked %ne3A_203 {add = true} : memref<64xf32, #tpu.memory_space<vmem>>[vector<16xi32>], vector<16xf32>, vector<16xi1>
    %get3A_204 = arith.constant 880 : index
    %get3A_205 = tpu.vector_load %arg4[%get3A_204] {strides = array<i32>} : memref<2048xi32, #tpu.memory_space<vmem>>, vector<16xi32>,
    %get3A_206 = arith.constant 1008 : index
    %get3A_207 = tpu.vector_load %arg4[%get3A_206] {strides = array<i32>} : memref<2048xi32, #tpu.memory_space<vmem>>, vector<16xi32>,
    tpu.vector_store_idx %arg5[%get3A_205], %broadcast_in_dim3A_49 {add = true} : memref<64xf32, #tpu.memory_space<vmem>>[vector<16xi32>], vector<16xf32>,
    %ne3A_208 = arith.cmpi ne, %get3A_207, %get3A_205 : vector<16xi32>
    tpu.vector_store_idx %arg5[%get3A_207], %broadcast_in_dim3A_49 masked %ne3A_208 {add = true} : memref<64xf32, #tpu.memory_space<vmem>>[vector<16xi32>], vector<16xf32>, vector<16xi1>
    %get3A_209 = arith.constant 1024 : index
    %get3A_210 = tpu.vector_load %arg4[%get3A_209] {strides = array<i32>} : memref<2048xi32, #tpu.memory_space<vmem>>, vector<16xi32>,
    %get3A_211 = arith.constant 1152 : index
    %get3A_212 = tpu.vector_load %arg4[%get3A_211] {strides = array<i32>} : memref<2048xi32, #tpu.memory_space<vmem>>, vector<16xi32>,
    tpu.vector_store_idx %arg5[%get3A_210], %broadcast_in_dim3A_49 {add = true} : memref<64xf32, #tpu.memory_space<vmem>>[vector<16xi32>], vector<16xf32>,
    %ne3A_213 = arith.cmpi ne, %get3A_212, %get3A_210 : vector<16xi32>
    tpu.vector_store_idx %arg5[%get3A_212], %broadcast_in_dim3A_49 masked %ne3A_213 {add = true} : memref<64xf32, #tpu.memory_space<vmem>>[vector<16xi32>], vector<16xf32>, vector<16xi1>
    %get3A_214 = arith.constant 1040 : index
    %get3A_215 = tpu.vector_load %arg4[%get3A_214] {strides = array<i32>} : memref<2048xi32, #tpu.memory_space<vmem>>, vector<16xi32>,
    %get3A_216 = arith.constant 1168 : index
    %get3A_217 = tpu.vector_load %arg4[%get3A_216] {strides = array<i32>} : memref<2048xi32, #tpu.memory_space<vmem>>, vector<16xi32>,
    tpu.vector_store_idx %arg5[%get3A_215], %broadcast_in_dim3A_49 {add = true} : memref<64xf32, #tpu.memory_space<vmem>>[vector<16xi32>], vector<16xf32>,
    %ne3A_218 = arith.cmpi ne, %get3A_217, %get3A_215 : vector<16xi32>
    tpu.vector_store_idx %arg5[%get3A_217], %broadcast_in_dim3A_49 masked %ne3A_218 {add = true} : memref<64xf32, #tpu.memory_space<vmem>>[vector<16xi32>], vector<16xf32>, vector<16xi1>
    %get3A_219 = arith.constant 1056 : index
    %get3A_220 = tpu.vector_load %arg4[%get3A_219] {strides = array<i32>} : memref<2048xi32, #tpu.memory_space<vmem>>, vector<16xi32>,
    %get3A_221 = arith.constant 1184 : index
    %get3A_222 = tpu.vector_load %arg4[%get3A_221] {strides = array<i32>} : memref<2048xi32, #tpu.memory_space<vmem>>, vector<16xi32>,
    tpu.vector_store_idx %arg5[%get3A_220], %broadcast_in_dim3A_49 {add = true} : memref<64xf32, #tpu.memory_space<vmem>>[vector<16xi32>], vector<16xf32>,
    %ne3A_223 = arith.cmpi ne, %get3A_222, %get3A_220 : vector<16xi32>
    tpu.vector_store_idx %arg5[%get3A_222], %broadcast_in_dim3A_49 masked %ne3A_223 {add = true} : memref<64xf32, #tpu.memory_space<vmem>>[vector<16xi32>], vector<16xf32>, vector<16xi1>
    %get3A_224 = arith.constant 1072 : index
    %get3A_225 = tpu.vector_load %arg4[%get3A_224] {strides = array<i32>} : memref<2048xi32, #tpu.memory_space<vmem>>, vector<16xi32>,
    %get3A_226 = arith.constant 1200 : index
    %get3A_227 = tpu.vector_load %arg4[%get3A_226] {strides = array<i32>} : memref<2048xi32, #tpu.memory_space<vmem>>, vector<16xi32>,
    tpu.vector_store_idx %arg5[%get3A_225], %broadcast_in_dim3A_49 {add = true} : memref<64xf32, #tpu.memory_space<vmem>>[vector<16xi32>], vector<16xf32>,
    %ne3A_228 = arith.cmpi ne, %get3A_227, %get3A_225 : vector<16xi32>
    tpu.vector_store_idx %arg5[%get3A_227], %broadcast_in_dim3A_49 masked %ne3A_228 {add = true} : memref<64xf32, #tpu.memory_space<vmem>>[vector<16xi32>], vector<16xf32>, vector<16xi1>
    %get3A_229 = arith.constant 1088 : index
    %get3A_230 = tpu.vector_load %arg4[%get3A_229] {strides = array<i32>} : memref<2048xi32, #tpu.memory_space<vmem>>, vector<16xi32>,
    %get3A_231 = arith.constant 1216 : index
    %get3A_232 = tpu.vector_load %arg4[%get3A_231] {strides = array<i32>} : memref<2048xi32, #tpu.memory_space<vmem>>, vector<16xi32>,
    tpu.vector_store_idx %arg5[%get3A_230], %broadcast_in_dim3A_49 {add = true} : memref<64xf32, #tpu.memory_space<vmem>>[vector<16xi32>], vector<16xf32>,
    %ne3A_233 = arith.cmpi ne, %get3A_232, %get3A_230 : vector<16xi32>
    tpu.vector_store_idx %arg5[%get3A_232], %broadcast_in_dim3A_49 masked %ne3A_233 {add = true} : memref<64xf32, #tpu.memory_space<vmem>>[vector<16xi32>], vector<16xf32>, vector<16xi1>
    %get3A_234 = arith.constant 1104 : index
    %get3A_235 = tpu.vector_load %arg4[%get3A_234] {strides = array<i32>} : memref<2048xi32, #tpu.memory_space<vmem>>, vector<16xi32>,
    %get3A_236 = arith.constant 1232 : index
    %get3A_237 = tpu.vector_load %arg4[%get3A_236] {strides = array<i32>} : memref<2048xi32, #tpu.memory_space<vmem>>, vector<16xi32>,
    tpu.vector_store_idx %arg5[%get3A_235], %broadcast_in_dim3A_49 {add = true} : memref<64xf32, #tpu.memory_space<vmem>>[vector<16xi32>], vector<16xf32>,
    %ne3A_238 = arith.cmpi ne, %get3A_237, %get3A_235 : vector<16xi32>
    tpu.vector_store_idx %arg5[%get3A_237], %broadcast_in_dim3A_49 masked %ne3A_238 {add = true} : memref<64xf32, #tpu.memory_space<vmem>>[vector<16xi32>], vector<16xf32>, vector<16xi1>
    %get3A_239 = arith.constant 1120 : index
    %get3A_240 = tpu.vector_load %arg4[%get3A_239] {strides = array<i32>} : memref<2048xi32, #tpu.memory_space<vmem>>, vector<16xi32>,
    %get3A_241 = arith.constant 1248 : index
    %get3A_242 = tpu.vector_load %arg4[%get3A_241] {strides = array<i32>} : memref<2048xi32, #tpu.memory_space<vmem>>, vector<16xi32>,
    tpu.vector_store_idx %arg5[%get3A_240], %broadcast_in_dim3A_49 {add = true} : memref<64xf32, #tpu.memory_space<vmem>>[vector<16xi32>], vector<16xf32>,
    %ne3A_243 = arith.cmpi ne, %get3A_242, %get3A_240 : vector<16xi32>
    tpu.vector_store_idx %arg5[%get3A_242], %broadcast_in_dim3A_49 masked %ne3A_243 {add = true} : memref<64xf32, #tpu.memory_space<vmem>>[vector<16xi32>], vector<16xf32>, vector<16xi1>
    %get3A_244 = arith.constant 1136 : index
    %get3A_245 = tpu.vector_load %arg4[%get3A_244] {strides = array<i32>} : memref<2048xi32, #tpu.memory_space<vmem>>, vector<16xi32>,
    %get3A_246 = arith.constant 1264 : index
    %get3A_247 = tpu.vector_load %arg4[%get3A_246] {strides = array<i32>} : memref<2048xi32, #tpu.memory_space<vmem>>, vector<16xi32>,
    tpu.vector_store_idx %arg5[%get3A_245], %broadcast_in_dim3A_49 {add = true} : memref<64xf32, #tpu.memory_space<vmem>>[vector<16xi32>], vector<16xf32>,
    %ne3A_248 = arith.cmpi ne, %get3A_247, %get3A_245 : vector<16xi32>
    tpu.vector_store_idx %arg5[%get3A_247], %broadcast_in_dim3A_49 masked %ne3A_248 {add = true} : memref<64xf32, #tpu.memory_space<vmem>>[vector<16xi32>], vector<16xf32>, vector<16xi1>
    %get3A_249 = arith.constant 1280 : index
    %get3A_250 = tpu.vector_load %arg4[%get3A_249] {strides = array<i32>} : memref<2048xi32, #tpu.memory_space<vmem>>, vector<16xi32>,
    %get3A_251 = arith.constant 1408 : index
    %get3A_252 = tpu.vector_load %arg4[%get3A_251] {strides = array<i32>} : memref<2048xi32, #tpu.memory_space<vmem>>, vector<16xi32>,
    tpu.vector_store_idx %arg5[%get3A_250], %broadcast_in_dim3A_49 {add = true} : memref<64xf32, #tpu.memory_space<vmem>>[vector<16xi32>], vector<16xf32>,
    %ne3A_253 = arith.cmpi ne, %get3A_252, %get3A_250 : vector<16xi32>
    tpu.vector_store_idx %arg5[%get3A_252], %broadcast_in_dim3A_49 masked %ne3A_253 {add = true} : memref<64xf32, #tpu.memory_space<vmem>>[vector<16xi32>], vector<16xf32>, vector<16xi1>
    %get3A_254 = arith.constant 1296 : index
    %get3A_255 = tpu.vector_load %arg4[%get3A_254] {strides = array<i32>} : memref<2048xi32, #tpu.memory_space<vmem>>, vector<16xi32>,
    %get3A_256 = arith.constant 1424 : index
    %get3A_257 = tpu.vector_load %arg4[%get3A_256] {strides = array<i32>} : memref<2048xi32, #tpu.memory_space<vmem>>, vector<16xi32>,
    tpu.vector_store_idx %arg5[%get3A_255], %broadcast_in_dim3A_49 {add = true} : memref<64xf32, #tpu.memory_space<vmem>>[vector<16xi32>], vector<16xf32>,
    %ne3A_258 = arith.cmpi ne, %get3A_257, %get3A_255 : vector<16xi32>
    tpu.vector_store_idx %arg5[%get3A_257], %broadcast_in_dim3A_49 masked %ne3A_258 {add = true} : memref<64xf32, #tpu.memory_space<vmem>>[vector<16xi32>], vector<16xf32>, vector<16xi1>
    %get3A_259 = arith.constant 1312 : index
    %get3A_260 = tpu.vector_load %arg4[%get3A_259] {strides = array<i32>} : memref<2048xi32, #tpu.memory_space<vmem>>, vector<16xi32>,
    %get3A_261 = arith.constant 1440 : index
    %get3A_262 = tpu.vector_load %arg4[%get3A_261] {strides = array<i32>} : memref<2048xi32, #tpu.memory_space<vmem>>, vector<16xi32>,
    tpu.vector_store_idx %arg5[%get3A_260], %broadcast_in_dim3A_49 {add = true} : memref<64xf32, #tpu.memory_space<vmem>>[vector<16xi32>], vector<16xf32>,
    %ne3A_263 = arith.cmpi ne, %get3A_262, %get3A_260 : vector<16xi32>
    tpu.vector_store_idx %arg5[%get3A_262], %broadcast_in_dim3A_49 masked %ne3A_263 {add = true} : memref<64xf32, #tpu.memory_space<vmem>>[vector<16xi32>], vector<16xf32>, vector<16xi1>
    %get3A_264 = arith.constant 1328 : index
    %get3A_265 = tpu.vector_load %arg4[%get3A_264] {strides = array<i32>} : memref<2048xi32, #tpu.memory_space<vmem>>, vector<16xi32>,
    %get3A_266 = arith.constant 1456 : index
    %get3A_267 = tpu.vector_load %arg4[%get3A_266] {strides = array<i32>} : memref<2048xi32, #tpu.memory_space<vmem>>, vector<16xi32>,
    tpu.vector_store_idx %arg5[%get3A_265], %broadcast_in_dim3A_49 {add = true} : memref<64xf32, #tpu.memory_space<vmem>>[vector<16xi32>], vector<16xf32>,
    %ne3A_268 = arith.cmpi ne, %get3A_267, %get3A_265 : vector<16xi32>
    tpu.vector_store_idx %arg5[%get3A_267], %broadcast_in_dim3A_49 masked %ne3A_268 {add = true} : memref<64xf32, #tpu.memory_space<vmem>>[vector<16xi32>], vector<16xf32>, vector<16xi1>
    %get3A_269 = arith.constant 1344 : index
    %get3A_270 = tpu.vector_load %arg4[%get3A_269] {strides = array<i32>} : memref<2048xi32, #tpu.memory_space<vmem>>, vector<16xi32>,
    %get3A_271 = arith.constant 1472 : index
    %get3A_272 = tpu.vector_load %arg4[%get3A_271] {strides = array<i32>} : memref<2048xi32, #tpu.memory_space<vmem>>, vector<16xi32>,
    tpu.vector_store_idx %arg5[%get3A_270], %broadcast_in_dim3A_49 {add = true} : memref<64xf32, #tpu.memory_space<vmem>>[vector<16xi32>], vector<16xf32>,
    %ne3A_273 = arith.cmpi ne, %get3A_272, %get3A_270 : vector<16xi32>
    tpu.vector_store_idx %arg5[%get3A_272], %broadcast_in_dim3A_49 masked %ne3A_273 {add = true} : memref<64xf32, #tpu.memory_space<vmem>>[vector<16xi32>], vector<16xf32>, vector<16xi1>
    %get3A_274 = arith.constant 1360 : index
    %get3A_275 = tpu.vector_load %arg4[%get3A_274] {strides = array<i32>} : memref<2048xi32, #tpu.memory_space<vmem>>, vector<16xi32>,
    %get3A_276 = arith.constant 1488 : index
    %get3A_277 = tpu.vector_load %arg4[%get3A_276] {strides = array<i32>} : memref<2048xi32, #tpu.memory_space<vmem>>, vector<16xi32>,
    tpu.vector_store_idx %arg5[%get3A_275], %broadcast_in_dim3A_49 {add = true} : memref<64xf32, #tpu.memory_space<vmem>>[vector<16xi32>], vector<16xf32>,
    %ne3A_278 = arith.cmpi ne, %get3A_277, %get3A_275 : vector<16xi32>
    tpu.vector_store_idx %arg5[%get3A_277], %broadcast_in_dim3A_49 masked %ne3A_278 {add = true} : memref<64xf32, #tpu.memory_space<vmem>>[vector<16xi32>], vector<16xf32>, vector<16xi1>
    %get3A_279 = arith.constant 1376 : index
    %get3A_280 = tpu.vector_load %arg4[%get3A_279] {strides = array<i32>} : memref<2048xi32, #tpu.memory_space<vmem>>, vector<16xi32>,
    %get3A_281 = arith.constant 1504 : index
    %get3A_282 = tpu.vector_load %arg4[%get3A_281] {strides = array<i32>} : memref<2048xi32, #tpu.memory_space<vmem>>, vector<16xi32>,
    tpu.vector_store_idx %arg5[%get3A_280], %broadcast_in_dim3A_49 {add = true} : memref<64xf32, #tpu.memory_space<vmem>>[vector<16xi32>], vector<16xf32>,
    %ne3A_283 = arith.cmpi ne, %get3A_282, %get3A_280 : vector<16xi32>
    tpu.vector_store_idx %arg5[%get3A_282], %broadcast_in_dim3A_49 masked %ne3A_283 {add = true} : memref<64xf32, #tpu.memory_space<vmem>>[vector<16xi32>], vector<16xf32>, vector<16xi1>
    %get3A_284 = arith.constant 1392 : index
    %get3A_285 = tpu.vector_load %arg4[%get3A_284] {strides = array<i32>} : memref<2048xi32, #tpu.memory_space<vmem>>, vector<16xi32>,
    %get3A_286 = arith.constant 1520 : index
    %get3A_287 = tpu.vector_load %arg4[%get3A_286] {strides = array<i32>} : memref<2048xi32, #tpu.memory_space<vmem>>, vector<16xi32>,
    tpu.vector_store_idx %arg5[%get3A_285], %broadcast_in_dim3A_49 {add = true} : memref<64xf32, #tpu.memory_space<vmem>>[vector<16xi32>], vector<16xf32>,
    %ne3A_288 = arith.cmpi ne, %get3A_287, %get3A_285 : vector<16xi32>
    tpu.vector_store_idx %arg5[%get3A_287], %broadcast_in_dim3A_49 masked %ne3A_288 {add = true} : memref<64xf32, #tpu.memory_space<vmem>>[vector<16xi32>], vector<16xf32>, vector<16xi1>
    %get3A_289 = arith.constant 1536 : index
    %get3A_290 = tpu.vector_load %arg4[%get3A_289] {strides = array<i32>} : memref<2048xi32, #tpu.memory_space<vmem>>, vector<16xi32>,
    %get3A_291 = arith.constant 1664 : index
    %get3A_292 = tpu.vector_load %arg4[%get3A_291] {strides = array<i32>} : memref<2048xi32, #tpu.memory_space<vmem>>, vector<16xi32>,
    tpu.vector_store_idx %arg5[%get3A_290], %broadcast_in_dim3A_49 {add = true} : memref<64xf32, #tpu.memory_space<vmem>>[vector<16xi32>], vector<16xf32>,
    %ne3A_293 = arith.cmpi ne, %get3A_292, %get3A_290 : vector<16xi32>
    tpu.vector_store_idx %arg5[%get3A_292], %broadcast_in_dim3A_49 masked %ne3A_293 {add = true} : memref<64xf32, #tpu.memory_space<vmem>>[vector<16xi32>], vector<16xf32>, vector<16xi1>
    %get3A_294 = arith.constant 1552 : index
    %get3A_295 = tpu.vector_load %arg4[%get3A_294] {strides = array<i32>} : memref<2048xi32, #tpu.memory_space<vmem>>, vector<16xi32>,
    %get3A_296 = arith.constant 1680 : index
    %get3A_297 = tpu.vector_load %arg4[%get3A_296] {strides = array<i32>} : memref<2048xi32, #tpu.memory_space<vmem>>, vector<16xi32>,
    tpu.vector_store_idx %arg5[%get3A_295], %broadcast_in_dim3A_49 {add = true} : memref<64xf32, #tpu.memory_space<vmem>>[vector<16xi32>], vector<16xf32>,
    %ne3A_298 = arith.cmpi ne, %get3A_297, %get3A_295 : vector<16xi32>
    tpu.vector_store_idx %arg5[%get3A_297], %broadcast_in_dim3A_49 masked %ne3A_298 {add = true} : memref<64xf32, #tpu.memory_space<vmem>>[vector<16xi32>], vector<16xf32>, vector<16xi1>
    %get3A_299 = arith.constant 1568 : index
    %get3A_300 = tpu.vector_load %arg4[%get3A_299] {strides = array<i32>} : memref<2048xi32, #tpu.memory_space<vmem>>, vector<16xi32>,
    %get3A_301 = arith.constant 1696 : index
    %get3A_302 = tpu.vector_load %arg4[%get3A_301] {strides = array<i32>} : memref<2048xi32, #tpu.memory_space<vmem>>, vector<16xi32>,
    tpu.vector_store_idx %arg5[%get3A_300], %broadcast_in_dim3A_49 {add = true} : memref<64xf32, #tpu.memory_space<vmem>>[vector<16xi32>], vector<16xf32>,
    %ne3A_303 = arith.cmpi ne, %get3A_302, %get3A_300 : vector<16xi32>
    tpu.vector_store_idx %arg5[%get3A_302], %broadcast_in_dim3A_49 masked %ne3A_303 {add = true} : memref<64xf32, #tpu.memory_space<vmem>>[vector<16xi32>], vector<16xf32>, vector<16xi1>
    %get3A_304 = arith.constant 1584 : index
    %get3A_305 = tpu.vector_load %arg4[%get3A_304] {strides = array<i32>} : memref<2048xi32, #tpu.memory_space<vmem>>, vector<16xi32>,
    %get3A_306 = arith.constant 1712 : index
    %get3A_307 = tpu.vector_load %arg4[%get3A_306] {strides = array<i32>} : memref<2048xi32, #tpu.memory_space<vmem>>, vector<16xi32>,
    tpu.vector_store_idx %arg5[%get3A_305], %broadcast_in_dim3A_49 {add = true} : memref<64xf32, #tpu.memory_space<vmem>>[vector<16xi32>], vector<16xf32>,
    %ne3A_308 = arith.cmpi ne, %get3A_307, %get3A_305 : vector<16xi32>
    tpu.vector_store_idx %arg5[%get3A_307], %broadcast_in_dim3A_49 masked %ne3A_308 {add = true} : memref<64xf32, #tpu.memory_space<vmem>>[vector<16xi32>], vector<16xf32>, vector<16xi1>
    %get3A_309 = arith.constant 1600 : index
    %get3A_310 = tpu.vector_load %arg4[%get3A_309] {strides = array<i32>} : memref<2048xi32, #tpu.memory_space<vmem>>, vector<16xi32>,
    %get3A_311 = arith.constant 1728 : index
    %get3A_312 = tpu.vector_load %arg4[%get3A_311] {strides = array<i32>} : memref<2048xi32, #tpu.memory_space<vmem>>, vector<16xi32>,
    tpu.vector_store_idx %arg5[%get3A_310], %broadcast_in_dim3A_49 {add = true} : memref<64xf32, #tpu.memory_space<vmem>>[vector<16xi32>], vector<16xf32>,
    %ne3A_313 = arith.cmpi ne, %get3A_312, %get3A_310 : vector<16xi32>
    tpu.vector_store_idx %arg5[%get3A_312], %broadcast_in_dim3A_49 masked %ne3A_313 {add = true} : memref<64xf32, #tpu.memory_space<vmem>>[vector<16xi32>], vector<16xf32>, vector<16xi1>
    %get3A_314 = arith.constant 1616 : index
    %get3A_315 = tpu.vector_load %arg4[%get3A_314] {strides = array<i32>} : memref<2048xi32, #tpu.memory_space<vmem>>, vector<16xi32>,
    %get3A_316 = arith.constant 1744 : index
    %get3A_317 = tpu.vector_load %arg4[%get3A_316] {strides = array<i32>} : memref<2048xi32, #tpu.memory_space<vmem>>, vector<16xi32>,
    tpu.vector_store_idx %arg5[%get3A_315], %broadcast_in_dim3A_49 {add = true} : memref<64xf32, #tpu.memory_space<vmem>>[vector<16xi32>], vector<16xf32>,
    %ne3A_318 = arith.cmpi ne, %get3A_317, %get3A_315 : vector<16xi32>
    tpu.vector_store_idx %arg5[%get3A_317], %broadcast_in_dim3A_49 masked %ne3A_318 {add = true} : memref<64xf32, #tpu.memory_space<vmem>>[vector<16xi32>], vector<16xf32>, vector<16xi1>
    %get3A_319 = arith.constant 1632 : index
    %get3A_320 = tpu.vector_load %arg4[%get3A_319] {strides = array<i32>} : memref<2048xi32, #tpu.memory_space<vmem>>, vector<16xi32>,
    %get3A_321 = arith.constant 1760 : index
    %get3A_322 = tpu.vector_load %arg4[%get3A_321] {strides = array<i32>} : memref<2048xi32, #tpu.memory_space<vmem>>, vector<16xi32>,
    tpu.vector_store_idx %arg5[%get3A_320], %broadcast_in_dim3A_49 {add = true} : memref<64xf32, #tpu.memory_space<vmem>>[vector<16xi32>], vector<16xf32>,
    %ne3A_323 = arith.cmpi ne, %get3A_322, %get3A_320 : vector<16xi32>
    tpu.vector_store_idx %arg5[%get3A_322], %broadcast_in_dim3A_49 masked %ne3A_323 {add = true} : memref<64xf32, #tpu.memory_space<vmem>>[vector<16xi32>], vector<16xf32>, vector<16xi1>
    %get3A_324 = arith.constant 1648 : index
    %get3A_325 = tpu.vector_load %arg4[%get3A_324] {strides = array<i32>} : memref<2048xi32, #tpu.memory_space<vmem>>, vector<16xi32>,
    %get3A_326 = arith.constant 1776 : index
    %get3A_327 = tpu.vector_load %arg4[%get3A_326] {strides = array<i32>} : memref<2048xi32, #tpu.memory_space<vmem>>, vector<16xi32>,
    tpu.vector_store_idx %arg5[%get3A_325], %broadcast_in_dim3A_49 {add = true} : memref<64xf32, #tpu.memory_space<vmem>>[vector<16xi32>], vector<16xf32>,
    %ne3A_328 = arith.cmpi ne, %get3A_327, %get3A_325 : vector<16xi32>
    tpu.vector_store_idx %arg5[%get3A_327], %broadcast_in_dim3A_49 masked %ne3A_328 {add = true} : memref<64xf32, #tpu.memory_space<vmem>>[vector<16xi32>], vector<16xf32>, vector<16xi1>
    %get3A_329 = arith.constant 1792 : index
    %get3A_330 = tpu.vector_load %arg4[%get3A_329] {strides = array<i32>} : memref<2048xi32, #tpu.memory_space<vmem>>, vector<16xi32>,
    %get3A_331 = arith.constant 1920 : index
    %get3A_332 = tpu.vector_load %arg4[%get3A_331] {strides = array<i32>} : memref<2048xi32, #tpu.memory_space<vmem>>, vector<16xi32>,
    tpu.vector_store_idx %arg5[%get3A_330], %broadcast_in_dim3A_49 {add = true} : memref<64xf32, #tpu.memory_space<vmem>>[vector<16xi32>], vector<16xf32>,
    %ne3A_333 = arith.cmpi ne, %get3A_332, %get3A_330 : vector<16xi32>
    tpu.vector_store_idx %arg5[%get3A_332], %broadcast_in_dim3A_49 masked %ne3A_333 {add = true} : memref<64xf32, #tpu.memory_space<vmem>>[vector<16xi32>], vector<16xf32>, vector<16xi1>
    %get3A_334 = arith.constant 1808 : index
    %get3A_335 = tpu.vector_load %arg4[%get3A_334] {strides = array<i32>} : memref<2048xi32, #tpu.memory_space<vmem>>, vector<16xi32>,
    %get3A_336 = arith.constant 1936 : index
    %get3A_337 = tpu.vector_load %arg4[%get3A_336] {strides = array<i32>} : memref<2048xi32, #tpu.memory_space<vmem>>, vector<16xi32>,
    tpu.vector_store_idx %arg5[%get3A_335], %broadcast_in_dim3A_49 {add = true} : memref<64xf32, #tpu.memory_space<vmem>>[vector<16xi32>], vector<16xf32>,
    %ne3A_338 = arith.cmpi ne, %get3A_337, %get3A_335 : vector<16xi32>
    tpu.vector_store_idx %arg5[%get3A_337], %broadcast_in_dim3A_49 masked %ne3A_338 {add = true} : memref<64xf32, #tpu.memory_space<vmem>>[vector<16xi32>], vector<16xf32>, vector<16xi1>
    %get3A_339 = arith.constant 1824 : index
    %get3A_340 = tpu.vector_load %arg4[%get3A_339] {strides = array<i32>} : memref<2048xi32, #tpu.memory_space<vmem>>, vector<16xi32>,
    %get3A_341 = arith.constant 1952 : index
    %get3A_342 = tpu.vector_load %arg4[%get3A_341] {strides = array<i32>} : memref<2048xi32, #tpu.memory_space<vmem>>, vector<16xi32>,
    tpu.vector_store_idx %arg5[%get3A_340], %broadcast_in_dim3A_49 {add = true} : memref<64xf32, #tpu.memory_space<vmem>>[vector<16xi32>], vector<16xf32>,
    %ne3A_343 = arith.cmpi ne, %get3A_342, %get3A_340 : vector<16xi32>
    tpu.vector_store_idx %arg5[%get3A_342], %broadcast_in_dim3A_49 masked %ne3A_343 {add = true} : memref<64xf32, #tpu.memory_space<vmem>>[vector<16xi32>], vector<16xf32>, vector<16xi1>
    %get3A_344 = arith.constant 1840 : index
    %get3A_345 = tpu.vector_load %arg4[%get3A_344] {strides = array<i32>} : memref<2048xi32, #tpu.memory_space<vmem>>, vector<16xi32>,
    %get3A_346 = arith.constant 1968 : index
    %get3A_347 = tpu.vector_load %arg4[%get3A_346] {strides = array<i32>} : memref<2048xi32, #tpu.memory_space<vmem>>, vector<16xi32>,
    tpu.vector_store_idx %arg5[%get3A_345], %broadcast_in_dim3A_49 {add = true} : memref<64xf32, #tpu.memory_space<vmem>>[vector<16xi32>], vector<16xf32>,
    %ne3A_348 = arith.cmpi ne, %get3A_347, %get3A_345 : vector<16xi32>
    tpu.vector_store_idx %arg5[%get3A_347], %broadcast_in_dim3A_49 masked %ne3A_348 {add = true} : memref<64xf32, #tpu.memory_space<vmem>>[vector<16xi32>], vector<16xf32>, vector<16xi1>
    %get3A_349 = arith.constant 1856 : index
    %get3A_350 = tpu.vector_load %arg4[%get3A_349] {strides = array<i32>} : memref<2048xi32, #tpu.memory_space<vmem>>, vector<16xi32>,
    %get3A_351 = arith.constant 1984 : index
    %get3A_352 = tpu.vector_load %arg4[%get3A_351] {strides = array<i32>} : memref<2048xi32, #tpu.memory_space<vmem>>, vector<16xi32>,
    tpu.vector_store_idx %arg5[%get3A_350], %broadcast_in_dim3A_49 {add = true} : memref<64xf32, #tpu.memory_space<vmem>>[vector<16xi32>], vector<16xf32>,
    %ne3A_353 = arith.cmpi ne, %get3A_352, %get3A_350 : vector<16xi32>
    tpu.vector_store_idx %arg5[%get3A_352], %broadcast_in_dim3A_49 masked %ne3A_353 {add = true} : memref<64xf32, #tpu.memory_space<vmem>>[vector<16xi32>], vector<16xf32>, vector<16xi1>
    %get3A_354 = arith.constant 1872 : index
    %get3A_355 = tpu.vector_load %arg4[%get3A_354] {strides = array<i32>} : memref<2048xi32, #tpu.memory_space<vmem>>, vector<16xi32>,
    %get3A_356 = arith.constant 2000 : index
    %get3A_357 = tpu.vector_load %arg4[%get3A_356] {strides = array<i32>} : memref<2048xi32, #tpu.memory_space<vmem>>, vector<16xi32>,
    tpu.vector_store_idx %arg5[%get3A_355], %broadcast_in_dim3A_49 {add = true} : memref<64xf32, #tpu.memory_space<vmem>>[vector<16xi32>], vector<16xf32>,
    %ne3A_358 = arith.cmpi ne, %get3A_357, %get3A_355 : vector<16xi32>
    tpu.vector_store_idx %arg5[%get3A_357], %broadcast_in_dim3A_49 masked %ne3A_358 {add = true} : memref<64xf32, #tpu.memory_space<vmem>>[vector<16xi32>], vector<16xf32>, vector<16xi1>
    %get3A_359 = arith.constant 1888 : index
    %get3A_360 = tpu.vector_load %arg4[%get3A_359] {strides = array<i32>} : memref<2048xi32, #tpu.memory_space<vmem>>, vector<16xi32>,
    %get3A_361 = arith.constant 2016 : index
    %get3A_362 = tpu.vector_load %arg4[%get3A_361] {strides = array<i32>} : memref<2048xi32, #tpu.memory_space<vmem>>, vector<16xi32>,
    tpu.vector_store_idx %arg5[%get3A_360], %broadcast_in_dim3A_49 {add = true} : memref<64xf32, #tpu.memory_space<vmem>>[vector<16xi32>], vector<16xf32>,
    %ne3A_363 = arith.cmpi ne, %get3A_362, %get3A_360 : vector<16xi32>
    tpu.vector_store_idx %arg5[%get3A_362], %broadcast_in_dim3A_49 masked %ne3A_363 {add = true} : memref<64xf32, #tpu.memory_space<vmem>>[vector<16xi32>], vector<16xf32>, vector<16xi1>
    %get3A_364 = arith.constant 1904 : index
    %get3A_365 = tpu.vector_load %arg4[%get3A_364] {strides = array<i32>} : memref<2048xi32, #tpu.memory_space<vmem>>, vector<16xi32>,
    %get3A_366 = arith.constant 2032 : index
    %get3A_367 = tpu.vector_load %arg4[%get3A_366] {strides = array<i32>} : memref<2048xi32, #tpu.memory_space<vmem>>, vector<16xi32>,
    tpu.vector_store_idx %arg5[%get3A_365], %broadcast_in_dim3A_49 {add = true} : memref<64xf32, #tpu.memory_space<vmem>>[vector<16xi32>], vector<16xf32>,
    %ne3A_368 = arith.cmpi ne, %get3A_367, %get3A_365 : vector<16xi32>
    tpu.vector_store_idx %arg5[%get3A_367], %broadcast_in_dim3A_49 masked %ne3A_368 {add = true} : memref<64xf32, #tpu.memory_space<vmem>>[vector<16xi32>], vector<16xf32>, vector<16xi1>
    "tpu.region"() ({
      %run_scoped3A = tpu.sem_alloc : memref<!tpu.dma_semaphore, #tpu.memory_space<semaphore_mem>>
      %dma_start3A = arith.constant 0 : i32
      %dma_start3A_369 = tpu.memref_slice %arg3[%add3A, %dma_start3A] : memref<32x64xf32, #tpu.memory_space<hbm>> -> memref<1x64xf32, #tpu.memory_space<hbm>>
      %dma_start3A_370 = tpu.memref_squeeze %dma_start3A_369 : memref<1x64xf32, #tpu.memory_space<hbm>> -> memref<64xf32, #tpu.memory_space<hbm>>
      %dma_start3A_371 = arith.constant 0 : i32
      %dma_start3A_372 = tpu.memref_slice %arg3[%add3A, %dma_start3A_371] : memref<32x64xf32, #tpu.memory_space<hbm>> -> memref<1x64xf32, #tpu.memory_space<hbm>>
      %dma_start3A_373 = tpu.memref_squeeze %dma_start3A_372 : memref<1x64xf32, #tpu.memory_space<hbm>> -> memref<64xf32, #tpu.memory_space<hbm>>
      tpu.enqueue_dma source(%arg5 : memref<64xf32, #tpu.memory_space<vmem>>) target(%dma_start3A_373 : memref<64xf32, #tpu.memory_space<hbm>>) target_semaphore(%run_scoped3A : memref<!tpu.dma_semaphore, #tpu.memory_space<semaphore_mem>>)
      %dma_wait3A = arith.constant 0 : i32
      %dma_wait3A_374 = tpu.memref_slice %arg3[%add3A, %dma_wait3A] : memref<32x64xf32, #tpu.memory_space<hbm>> -> memref<1x64xf32, #tpu.memory_space<hbm>>
      %dma_wait3A_375 = tpu.memref_squeeze %dma_wait3A_374 : memref<1x64xf32, #tpu.memory_space<hbm>> -> memref<64xf32, #tpu.memory_space<hbm>>
      %dma_wait3A_376 = arith.constant 0 : i32
      %dma_wait3A_377 = tpu.memref_slice %arg3[%add3A, %dma_wait3A_376] : memref<32x64xf32, #tpu.memory_space<hbm>> -> memref<1x64xf32, #tpu.memory_space<hbm>>
      %dma_wait3A_378 = tpu.memref_squeeze %dma_wait3A_377 : memref<1x64xf32, #tpu.memory_space<hbm>> -> memref<64xf32, #tpu.memory_space<hbm>>
      tpu.wait_dma2 semaphore(%run_scoped3A : memref<!tpu.dma_semaphore, #tpu.memory_space<semaphore_mem>>) src(%arg5 : memref<64xf32, #tpu.memory_space<vmem>>) dst(%dma_wait3A_378 : memref<64xf32, #tpu.memory_space<hbm>>)
      tpu.yield
    }) : () -> ()
    return
  }
}

module attributes {stable_mosaic.version = 14 : i64} {
  func.func @_dense_body(%arg0: memref<4x64x8192xf32, #tpu.memory_space<hbm>>, %arg1: memref<4x1x64xf32, #tpu.memory_space<vmem>>, %arg2: memref<1x1xf32, #tpu.memory_space<vmem>>, %arg3: memref<64x8192xf32, #tpu.memory_space<vmem>>, %arg4: memref<64x8192xf32, #tpu.memory_space<vmem>>, %arg5: memref<64x8192xf32, #tpu.memory_space<vmem>>, %arg6: memref<!tpu.dma_semaphore, #tpu.memory_space<semaphore_mem>>, %arg7: memref<!tpu.dma_semaphore, #tpu.memory_space<semaphore_mem>>, %arg8: memref<!tpu.dma_semaphore, #tpu.memory_space<semaphore_mem>>) attributes {dimension_semantics = [], scalar_prefetch = 0 : i64, scratch_operands = 6 : i64, tpu.core_type = #tpu.core_type<tc>} {
    %dma_start3A = arith.constant 0 : i32
    %dma_start3A_0 = arith.constant 0 : i32
    %dma_start3A_1 = arith.constant 0 : i32
    %dma_start3A_2 = tpu.memref_slice %arg0[%dma_start3A, %dma_start3A_0, %dma_start3A_1] : memref<4x64x8192xf32, #tpu.memory_space<hbm>> -> memref<1x64x8192xf32, #tpu.memory_space<hbm>>
    %dma_start3A_3 = tpu.memref_squeeze %dma_start3A_2 : memref<1x64x8192xf32, #tpu.memory_space<hbm>> -> memref<64x8192xf32, #tpu.memory_space<hbm>>
    tpu.enqueue_dma source(%dma_start3A_3 : memref<64x8192xf32, #tpu.memory_space<hbm>>) target(%arg3 : memref<64x8192xf32, #tpu.memory_space<vmem>>) target_semaphore(%arg6 : memref<!tpu.dma_semaphore, #tpu.memory_space<semaphore_mem>>)
    %dma_start3A_4 = arith.constant 1 : i32
    %dma_start3A_5 = arith.constant 0 : i32
    %dma_start3A_6 = arith.constant 0 : i32
    %dma_start3A_7 = tpu.memref_slice %arg0[%dma_start3A_4, %dma_start3A_5, %dma_start3A_6] : memref<4x64x8192xf32, #tpu.memory_space<hbm>> -> memref<1x64x8192xf32, #tpu.memory_space<hbm>>
    %dma_start3A_8 = tpu.memref_squeeze %dma_start3A_7 : memref<1x64x8192xf32, #tpu.memory_space<hbm>> -> memref<64x8192xf32, #tpu.memory_space<hbm>>
    tpu.enqueue_dma source(%dma_start3A_8 : memref<64x8192xf32, #tpu.memory_space<hbm>>) target(%arg4 : memref<64x8192xf32, #tpu.memory_space<vmem>>) target_semaphore(%arg7 : memref<!tpu.dma_semaphore, #tpu.memory_space<semaphore_mem>>)
    %dma_start3A_9 = arith.constant 2 : i32
    %dma_start3A_10 = arith.constant 0 : i32
    %dma_start3A_11 = arith.constant 0 : i32
    %dma_start3A_12 = tpu.memref_slice %arg0[%dma_start3A_9, %dma_start3A_10, %dma_start3A_11] : memref<4x64x8192xf32, #tpu.memory_space<hbm>> -> memref<1x64x8192xf32, #tpu.memory_space<hbm>>
    %dma_start3A_13 = tpu.memref_squeeze %dma_start3A_12 : memref<1x64x8192xf32, #tpu.memory_space<hbm>> -> memref<64x8192xf32, #tpu.memory_space<hbm>>
    tpu.enqueue_dma source(%dma_start3A_13 : memref<64x8192xf32, #tpu.memory_space<hbm>>) target(%arg5 : memref<64x8192xf32, #tpu.memory_space<vmem>>) target_semaphore(%arg8 : memref<!tpu.dma_semaphore, #tpu.memory_space<semaphore_mem>>)
    %dma_wait3A = arith.constant 0 : i32
    %dma_wait3A_14 = arith.constant 0 : i32
    %dma_wait3A_15 = arith.constant 0 : i32
    %dma_wait3A_16 = tpu.memref_slice %arg0[%dma_wait3A, %dma_wait3A_14, %dma_wait3A_15] : memref<4x64x8192xf32, #tpu.memory_space<hbm>> -> memref<1x64x8192xf32, #tpu.memory_space<hbm>>
    %dma_wait3A_17 = tpu.memref_squeeze %dma_wait3A_16 : memref<1x64x8192xf32, #tpu.memory_space<hbm>> -> memref<64x8192xf32, #tpu.memory_space<hbm>>
    tpu.wait_dma2 semaphore(%arg6 : memref<!tpu.dma_semaphore, #tpu.memory_space<semaphore_mem>>) src(%dma_wait3A_17 : memref<64x8192xf32, #tpu.memory_space<hbm>>) dst(%arg3 : memref<64x8192xf32, #tpu.memory_space<vmem>>)
    %get3A = arith.constant 0 : index
    %get3A_18 = arith.constant 0 : index
    %get3A_19 = vector.load %arg3[%get3A, %get3A_18] : memref<64x8192xf32, #tpu.memory_space<vmem>>, vector<64x4096xf32>
    %exp3A = math.exp %get3A_19 : vector<64x4096xf32>
    %reduce_sum3A = arith.constant dense<0.000000e+00> : vector<4096xf32>
    %reduce_sum3A_20 = vector.multi_reduction <add>, %exp3A, %reduce_sum3A [0] : vector<64x4096xf32> to vector<4096xf32>
    %broadcast_in_dim3A = vector.shape_cast %reduce_sum3A_20 : vector<4096xf32> to vector<1x4096xf32>
    %div3A = arith.constant 1.000000e+00 : f32
    %div3A_21 = vector.broadcast %div3A : f32 to vector<1x4096xf32>
    %div3A_22 = arith.divf %div3A_21, %broadcast_in_dim3A : vector<1x4096xf32>
    %dot_general3A = arith.constant dense<0.000000e+00> : vector<1x64xf32>
    %dot_general3A_23 = tpu.matmul %div3A_22, %exp3A, %dot_general3A {dimension_numbers = #tpu.dot_dimension_numbers<[1], [1], [0], [0], [0, 0, 1, 0], [], []>, transpose_lhs_hint = false} : vector<1x4096xf32>, vector<64x4096xf32>, vector<1x64xf32> -> vector<1x64xf32>
    %log3A = math.log %broadcast_in_dim3A : vector<1x4096xf32>
    %mul3A = arith.mulf %log3A, %log3A : vector<1x4096xf32>
    %reduce_sum3A_24 = vector.shape_cast %mul3A : vector<1x4096xf32> to vector<1x1x4096xf32>
    %reduce_sum3A_25 = arith.constant dense<0.000000e+00> : vector<1xf32>
    %reduce_sum3A_26 = vector.multi_reduction <add>, %reduce_sum3A_24, %reduce_sum3A_25 [1, 2] : vector<1x1x4096xf32> to vector<1xf32>
    %reduce_sum3A_27 = vector.shape_cast %reduce_sum3A_26 : vector<1xf32> to vector<1x1x1xf32>
    %reduce_sum3A_28 = vector.extract %reduce_sum3A_27[0, 0, 0] : f32 from vector<1x1x1xf32>
    %add3A = arith.constant 0.000000e+00 : f32
    %add3A_29 = arith.addf %add3A, %reduce_sum3A_28 : f32
    %get3A_30 = arith.constant 0 : index
    %get3A_31 = arith.constant 4096 : index
    %get3A_32 = vector.load %arg3[%get3A_30, %get3A_31] : memref<64x8192xf32, #tpu.memory_space<vmem>>, vector<64x4096xf32>
    %exp3A_33 = math.exp %get3A_32 : vector<64x4096xf32>
    %reduce_sum3A_34 = arith.constant dense<0.000000e+00> : vector<4096xf32>
    %reduce_sum3A_35 = vector.multi_reduction <add>, %exp3A_33, %reduce_sum3A_34 [0] : vector<64x4096xf32> to vector<4096xf32>
    %broadcast_in_dim3A_36 = vector.shape_cast %reduce_sum3A_35 : vector<4096xf32> to vector<1x4096xf32>
    %div3A_37 = arith.constant 1.000000e+00 : f32
    %div3A_38 = vector.broadcast %div3A_37 : f32 to vector<1x4096xf32>
    %div3A_39 = arith.divf %div3A_38, %broadcast_in_dim3A_36 : vector<1x4096xf32>
    %dot_general3A_40 = arith.constant dense<0.000000e+00> : vector<1x64xf32>
    %dot_general3A_41 = tpu.matmul %div3A_39, %exp3A_33, %dot_general3A_40 {dimension_numbers = #tpu.dot_dimension_numbers<[1], [1], [0], [0], [0, 0, 1, 0], [], []>, transpose_lhs_hint = false} : vector<1x4096xf32>, vector<64x4096xf32>, vector<1x64xf32> -> vector<1x64xf32>
    %add3A_42 = arith.addf %dot_general3A_23, %dot_general3A_41 : vector<1x64xf32>
    %log3A_43 = math.log %broadcast_in_dim3A_36 : vector<1x4096xf32>
    %mul3A_44 = arith.mulf %log3A_43, %log3A_43 : vector<1x4096xf32>
    %reduce_sum3A_45 = vector.shape_cast %mul3A_44 : vector<1x4096xf32> to vector<1x1x4096xf32>
    %reduce_sum3A_46 = arith.constant dense<0.000000e+00> : vector<1xf32>
    %reduce_sum3A_47 = vector.multi_reduction <add>, %reduce_sum3A_45, %reduce_sum3A_46 [1, 2] : vector<1x1x4096xf32> to vector<1xf32>
    %reduce_sum3A_48 = vector.shape_cast %reduce_sum3A_47 : vector<1xf32> to vector<1x1x1xf32>
    %reduce_sum3A_49 = vector.extract %reduce_sum3A_48[0, 0, 0] : f32 from vector<1x1x1xf32>
    %add3A_50 = arith.addf %add3A_29, %reduce_sum3A_49 : f32
    %swap3A = arith.constant 0 : index
    %swap3A_51 = arith.constant 0 : index
    %swap3A_52 = arith.constant 0 : index
    %swap3A_53 = vector.load %arg1[%swap3A, %swap3A_51, %swap3A_52] : memref<4x1x64xf32, #tpu.memory_space<vmem>>, vector<1x1x64xf32>
    %swap3A_54 = vector.shape_cast %swap3A_53 : vector<1x1x64xf32> to vector<1x64xf32>
    %swap3A_55 = vector.shape_cast %add3A_42 : vector<1x64xf32> to vector<1x1x64xf32>
    tpu.vector_store %arg1[%swap3A, %swap3A_51, %swap3A_52], %swap3A_55 {strides = array<i32>} : memref<4x1x64xf32, #tpu.memory_space<vmem>>, vector<1x1x64xf32>,
    %dma_start3A_56 = arith.constant 3 : i32
    %dma_start3A_57 = arith.constant 0 : i32
    %dma_start3A_58 = arith.constant 0 : i32
    %dma_start3A_59 = tpu.memref_slice %arg0[%dma_start3A_56, %dma_start3A_57, %dma_start3A_58] : memref<4x64x8192xf32, #tpu.memory_space<hbm>> -> memref<1x64x8192xf32, #tpu.memory_space<hbm>>
    %dma_start3A_60 = tpu.memref_squeeze %dma_start3A_59 : memref<1x64x8192xf32, #tpu.memory_space<hbm>> -> memref<64x8192xf32, #tpu.memory_space<hbm>>
    tpu.enqueue_dma source(%dma_start3A_60 : memref<64x8192xf32, #tpu.memory_space<hbm>>) target(%arg3 : memref<64x8192xf32, #tpu.memory_space<vmem>>) target_semaphore(%arg6 : memref<!tpu.dma_semaphore, #tpu.memory_space<semaphore_mem>>)
    %dma_wait3A_61 = arith.constant 1 : i32
    %dma_wait3A_62 = arith.constant 0 : i32
    %dma_wait3A_63 = arith.constant 0 : i32
    %dma_wait3A_64 = tpu.memref_slice %arg0[%dma_wait3A_61, %dma_wait3A_62, %dma_wait3A_63] : memref<4x64x8192xf32, #tpu.memory_space<hbm>> -> memref<1x64x8192xf32, #tpu.memory_space<hbm>>
    %dma_wait3A_65 = tpu.memref_squeeze %dma_wait3A_64 : memref<1x64x8192xf32, #tpu.memory_space<hbm>> -> memref<64x8192xf32, #tpu.memory_space<hbm>>
    tpu.wait_dma2 semaphore(%arg7 : memref<!tpu.dma_semaphore, #tpu.memory_space<semaphore_mem>>) src(%dma_wait3A_65 : memref<64x8192xf32, #tpu.memory_space<hbm>>) dst(%arg4 : memref<64x8192xf32, #tpu.memory_space<vmem>>)
    %get3A_66 = arith.constant 0 : index
    %get3A_67 = arith.constant 0 : index
    %get3A_68 = vector.load %arg4[%get3A_66, %get3A_67] : memref<64x8192xf32, #tpu.memory_space<vmem>>, vector<64x4096xf32>
    %exp3A_69 = math.exp %get3A_68 : vector<64x4096xf32>
    %reduce_sum3A_70 = arith.constant dense<0.000000e+00> : vector<4096xf32>
    %reduce_sum3A_71 = vector.multi_reduction <add>, %exp3A_69, %reduce_sum3A_70 [0] : vector<64x4096xf32> to vector<4096xf32>
    %broadcast_in_dim3A_72 = vector.shape_cast %reduce_sum3A_71 : vector<4096xf32> to vector<1x4096xf32>
    %div3A_73 = arith.constant 1.000000e+00 : f32
    %div3A_74 = vector.broadcast %div3A_73 : f32 to vector<1x4096xf32>
    %div3A_75 = arith.divf %div3A_74, %broadcast_in_dim3A_72 : vector<1x4096xf32>
    %dot_general3A_76 = arith.constant dense<0.000000e+00> : vector<1x64xf32>
    %dot_general3A_77 = tpu.matmul %div3A_75, %exp3A_69, %dot_general3A_76 {dimension_numbers = #tpu.dot_dimension_numbers<[1], [1], [0], [0], [0, 0, 1, 0], [], []>, transpose_lhs_hint = false} : vector<1x4096xf32>, vector<64x4096xf32>, vector<1x64xf32> -> vector<1x64xf32>
    %log3A_78 = math.log %broadcast_in_dim3A_72 : vector<1x4096xf32>
    %mul3A_79 = arith.mulf %log3A_78, %log3A_78 : vector<1x4096xf32>
    %reduce_sum3A_80 = vector.shape_cast %mul3A_79 : vector<1x4096xf32> to vector<1x1x4096xf32>
    %reduce_sum3A_81 = arith.constant dense<0.000000e+00> : vector<1xf32>
    %reduce_sum3A_82 = vector.multi_reduction <add>, %reduce_sum3A_80, %reduce_sum3A_81 [1, 2] : vector<1x1x4096xf32> to vector<1xf32>
    %reduce_sum3A_83 = vector.shape_cast %reduce_sum3A_82 : vector<1xf32> to vector<1x1x1xf32>
    %reduce_sum3A_84 = vector.extract %reduce_sum3A_83[0, 0, 0] : f32 from vector<1x1x1xf32>
    %add3A_85 = arith.addf %add3A_50, %reduce_sum3A_84 : f32
    %get3A_86 = arith.constant 0 : index
    %get3A_87 = arith.constant 4096 : index
    %get3A_88 = vector.load %arg4[%get3A_86, %get3A_87] : memref<64x8192xf32, #tpu.memory_space<vmem>>, vector<64x4096xf32>
    %exp3A_89 = math.exp %get3A_88 : vector<64x4096xf32>
    %reduce_sum3A_90 = arith.constant dense<0.000000e+00> : vector<4096xf32>
    %reduce_sum3A_91 = vector.multi_reduction <add>, %exp3A_89, %reduce_sum3A_90 [0] : vector<64x4096xf32> to vector<4096xf32>
    %broadcast_in_dim3A_92 = vector.shape_cast %reduce_sum3A_91 : vector<4096xf32> to vector<1x4096xf32>
    %div3A_93 = arith.constant 1.000000e+00 : f32
    %div3A_94 = vector.broadcast %div3A_93 : f32 to vector<1x4096xf32>
    %div3A_95 = arith.divf %div3A_94, %broadcast_in_dim3A_92 : vector<1x4096xf32>
    %dot_general3A_96 = arith.constant dense<0.000000e+00> : vector<1x64xf32>
    %dot_general3A_97 = tpu.matmul %div3A_95, %exp3A_89, %dot_general3A_96 {dimension_numbers = #tpu.dot_dimension_numbers<[1], [1], [0], [0], [0, 0, 1, 0], [], []>, transpose_lhs_hint = false} : vector<1x4096xf32>, vector<64x4096xf32>, vector<1x64xf32> -> vector<1x64xf32>
    %add3A_98 = arith.addf %dot_general3A_77, %dot_general3A_97 : vector<1x64xf32>
    %log3A_99 = math.log %broadcast_in_dim3A_92 : vector<1x4096xf32>
    %mul3A_100 = arith.mulf %log3A_99, %log3A_99 : vector<1x4096xf32>
    %reduce_sum3A_101 = vector.shape_cast %mul3A_100 : vector<1x4096xf32> to vector<1x1x4096xf32>
    %reduce_sum3A_102 = arith.constant dense<0.000000e+00> : vector<1xf32>
    %reduce_sum3A_103 = vector.multi_reduction <add>, %reduce_sum3A_101, %reduce_sum3A_102 [1, 2] : vector<1x1x4096xf32> to vector<1xf32>
    %reduce_sum3A_104 = vector.shape_cast %reduce_sum3A_103 : vector<1xf32> to vector<1x1x1xf32>
    %reduce_sum3A_105 = vector.extract %reduce_sum3A_104[0, 0, 0] : f32 from vector<1x1x1xf32>
    %add3A_106 = arith.addf %add3A_85, %reduce_sum3A_105 : f32
    %swap3A_107 = arith.constant 1 : index
    %swap3A_108 = arith.constant 0 : index
    %swap3A_109 = arith.constant 0 : index
    %swap3A_110 = vector.load %arg1[%swap3A_107, %swap3A_108, %swap3A_109] : memref<4x1x64xf32, #tpu.memory_space<vmem>>, vector<1x1x64xf32>
    %swap3A_111 = vector.shape_cast %swap3A_110 : vector<1x1x64xf32> to vector<1x64xf32>
    %swap3A_112 = vector.shape_cast %add3A_98 : vector<1x64xf32> to vector<1x1x64xf32>
    tpu.vector_store %arg1[%swap3A_107, %swap3A_108, %swap3A_109], %swap3A_112 {strides = array<i32>} : memref<4x1x64xf32, #tpu.memory_space<vmem>>, vector<1x1x64xf32>,
    %dma_wait3A_113 = arith.constant 2 : i32
    %dma_wait3A_114 = arith.constant 0 : i32
    %dma_wait3A_115 = arith.constant 0 : i32
    %dma_wait3A_116 = tpu.memref_slice %arg0[%dma_wait3A_113, %dma_wait3A_114, %dma_wait3A_115] : memref<4x64x8192xf32, #tpu.memory_space<hbm>> -> memref<1x64x8192xf32, #tpu.memory_space<hbm>>
    %dma_wait3A_117 = tpu.memref_squeeze %dma_wait3A_116 : memref<1x64x8192xf32, #tpu.memory_space<hbm>> -> memref<64x8192xf32, #tpu.memory_space<hbm>>
    tpu.wait_dma2 semaphore(%arg8 : memref<!tpu.dma_semaphore, #tpu.memory_space<semaphore_mem>>) src(%dma_wait3A_117 : memref<64x8192xf32, #tpu.memory_space<hbm>>) dst(%arg5 : memref<64x8192xf32, #tpu.memory_space<vmem>>)
    %get3A_118 = arith.constant 0 : index
    %get3A_119 = arith.constant 0 : index
    %get3A_120 = vector.load %arg5[%get3A_118, %get3A_119] : memref<64x8192xf32, #tpu.memory_space<vmem>>, vector<64x4096xf32>
    %exp3A_121 = math.exp %get3A_120 : vector<64x4096xf32>
    %reduce_sum3A_122 = arith.constant dense<0.000000e+00> : vector<4096xf32>
    %reduce_sum3A_123 = vector.multi_reduction <add>, %exp3A_121, %reduce_sum3A_122 [0] : vector<64x4096xf32> to vector<4096xf32>
    %broadcast_in_dim3A_124 = vector.shape_cast %reduce_sum3A_123 : vector<4096xf32> to vector<1x4096xf32>
    %div3A_125 = arith.constant 1.000000e+00 : f32
    %div3A_126 = vector.broadcast %div3A_125 : f32 to vector<1x4096xf32>
    %div3A_127 = arith.divf %div3A_126, %broadcast_in_dim3A_124 : vector<1x4096xf32>
    %dot_general3A_128 = arith.constant dense<0.000000e+00> : vector<1x64xf32>
    %dot_general3A_129 = tpu.matmul %div3A_127, %exp3A_121, %dot_general3A_128 {dimension_numbers = #tpu.dot_dimension_numbers<[1], [1], [0], [0], [0, 0, 1, 0], [], []>, transpose_lhs_hint = false} : vector<1x4096xf32>, vector<64x4096xf32>, vector<1x64xf32> -> vector<1x64xf32>
    %log3A_130 = math.log %broadcast_in_dim3A_124 : vector<1x4096xf32>
    %mul3A_131 = arith.mulf %log3A_130, %log3A_130 : vector<1x4096xf32>
    %reduce_sum3A_132 = vector.shape_cast %mul3A_131 : vector<1x4096xf32> to vector<1x1x4096xf32>
    %reduce_sum3A_133 = arith.constant dense<0.000000e+00> : vector<1xf32>
    %reduce_sum3A_134 = vector.multi_reduction <add>, %reduce_sum3A_132, %reduce_sum3A_133 [1, 2] : vector<1x1x4096xf32> to vector<1xf32>
    %reduce_sum3A_135 = vector.shape_cast %reduce_sum3A_134 : vector<1xf32> to vector<1x1x1xf32>
    %reduce_sum3A_136 = vector.extract %reduce_sum3A_135[0, 0, 0] : f32 from vector<1x1x1xf32>
    %add3A_137 = arith.addf %add3A_106, %reduce_sum3A_136 : f32
    %get3A_138 = arith.constant 0 : index
    %get3A_139 = arith.constant 4096 : index
    %get3A_140 = vector.load %arg5[%get3A_138, %get3A_139] : memref<64x8192xf32, #tpu.memory_space<vmem>>, vector<64x4096xf32>
    %exp3A_141 = math.exp %get3A_140 : vector<64x4096xf32>
    %reduce_sum3A_142 = arith.constant dense<0.000000e+00> : vector<4096xf32>
    %reduce_sum3A_143 = vector.multi_reduction <add>, %exp3A_141, %reduce_sum3A_142 [0] : vector<64x4096xf32> to vector<4096xf32>
    %broadcast_in_dim3A_144 = vector.shape_cast %reduce_sum3A_143 : vector<4096xf32> to vector<1x4096xf32>
    %div3A_145 = arith.constant 1.000000e+00 : f32
    %div3A_146 = vector.broadcast %div3A_145 : f32 to vector<1x4096xf32>
    %div3A_147 = arith.divf %div3A_146, %broadcast_in_dim3A_144 : vector<1x4096xf32>
    %dot_general3A_148 = arith.constant dense<0.000000e+00> : vector<1x64xf32>
    %dot_general3A_149 = tpu.matmul %div3A_147, %exp3A_141, %dot_general3A_148 {dimension_numbers = #tpu.dot_dimension_numbers<[1], [1], [0], [0], [0, 0, 1, 0], [], []>, transpose_lhs_hint = false} : vector<1x4096xf32>, vector<64x4096xf32>, vector<1x64xf32> -> vector<1x64xf32>
    %add3A_150 = arith.addf %dot_general3A_129, %dot_general3A_149 : vector<1x64xf32>
    %log3A_151 = math.log %broadcast_in_dim3A_144 : vector<1x4096xf32>
    %mul3A_152 = arith.mulf %log3A_151, %log3A_151 : vector<1x4096xf32>
    %reduce_sum3A_153 = vector.shape_cast %mul3A_152 : vector<1x4096xf32> to vector<1x1x4096xf32>
    %reduce_sum3A_154 = arith.constant dense<0.000000e+00> : vector<1xf32>
    %reduce_sum3A_155 = vector.multi_reduction <add>, %reduce_sum3A_153, %reduce_sum3A_154 [1, 2] : vector<1x1x4096xf32> to vector<1xf32>
    %reduce_sum3A_156 = vector.shape_cast %reduce_sum3A_155 : vector<1xf32> to vector<1x1x1xf32>
    %reduce_sum3A_157 = vector.extract %reduce_sum3A_156[0, 0, 0] : f32 from vector<1x1x1xf32>
    %add3A_158 = arith.addf %add3A_137, %reduce_sum3A_157 : f32
    %swap3A_159 = arith.constant 2 : index
    %swap3A_160 = arith.constant 0 : index
    %swap3A_161 = arith.constant 0 : index
    %swap3A_162 = vector.load %arg1[%swap3A_159, %swap3A_160, %swap3A_161] : memref<4x1x64xf32, #tpu.memory_space<vmem>>, vector<1x1x64xf32>
    %swap3A_163 = vector.shape_cast %swap3A_162 : vector<1x1x64xf32> to vector<1x64xf32>
    %swap3A_164 = vector.shape_cast %add3A_150 : vector<1x64xf32> to vector<1x1x64xf32>
    tpu.vector_store %arg1[%swap3A_159, %swap3A_160, %swap3A_161], %swap3A_164 {strides = array<i32>} : memref<4x1x64xf32, #tpu.memory_space<vmem>>, vector<1x1x64xf32>,
    %dma_wait3A_165 = arith.constant 3 : i32
    %dma_wait3A_166 = arith.constant 0 : i32
    %dma_wait3A_167 = arith.constant 0 : i32
    %dma_wait3A_168 = tpu.memref_slice %arg0[%dma_wait3A_165, %dma_wait3A_166, %dma_wait3A_167] : memref<4x64x8192xf32, #tpu.memory_space<hbm>> -> memref<1x64x8192xf32, #tpu.memory_space<hbm>>
    %dma_wait3A_169 = tpu.memref_squeeze %dma_wait3A_168 : memref<1x64x8192xf32, #tpu.memory_space<hbm>> -> memref<64x8192xf32, #tpu.memory_space<hbm>>
    tpu.wait_dma2 semaphore(%arg6 : memref<!tpu.dma_semaphore, #tpu.memory_space<semaphore_mem>>) src(%dma_wait3A_169 : memref<64x8192xf32, #tpu.memory_space<hbm>>) dst(%arg3 : memref<64x8192xf32, #tpu.memory_space<vmem>>)
    %get3A_170 = arith.constant 0 : index
    %get3A_171 = arith.constant 0 : index
    %get3A_172 = vector.load %arg3[%get3A_170, %get3A_171] : memref<64x8192xf32, #tpu.memory_space<vmem>>, vector<64x4096xf32>
    %exp3A_173 = math.exp %get3A_172 : vector<64x4096xf32>
    %reduce_sum3A_174 = arith.constant dense<0.000000e+00> : vector<4096xf32>
    %reduce_sum3A_175 = vector.multi_reduction <add>, %exp3A_173, %reduce_sum3A_174 [0] : vector<64x4096xf32> to vector<4096xf32>
    %broadcast_in_dim3A_176 = vector.shape_cast %reduce_sum3A_175 : vector<4096xf32> to vector<1x4096xf32>
    %div3A_177 = arith.constant 1.000000e+00 : f32
    %div3A_178 = vector.broadcast %div3A_177 : f32 to vector<1x4096xf32>
    %div3A_179 = arith.divf %div3A_178, %broadcast_in_dim3A_176 : vector<1x4096xf32>
    %dot_general3A_180 = arith.constant dense<0.000000e+00> : vector<1x64xf32>
    %dot_general3A_181 = tpu.matmul %div3A_179, %exp3A_173, %dot_general3A_180 {dimension_numbers = #tpu.dot_dimension_numbers<[1], [1], [0], [0], [0, 0, 1, 0], [], []>, transpose_lhs_hint = false} : vector<1x4096xf32>, vector<64x4096xf32>, vector<1x64xf32> -> vector<1x64xf32>
    %log3A_182 = math.log %broadcast_in_dim3A_176 : vector<1x4096xf32>
    %mul3A_183 = arith.mulf %log3A_182, %log3A_182 : vector<1x4096xf32>
    %reduce_sum3A_184 = vector.shape_cast %mul3A_183 : vector<1x4096xf32> to vector<1x1x4096xf32>
    %reduce_sum3A_185 = arith.constant dense<0.000000e+00> : vector<1xf32>
    %reduce_sum3A_186 = vector.multi_reduction <add>, %reduce_sum3A_184, %reduce_sum3A_185 [1, 2] : vector<1x1x4096xf32> to vector<1xf32>
    %reduce_sum3A_187 = vector.shape_cast %reduce_sum3A_186 : vector<1xf32> to vector<1x1x1xf32>
    %reduce_sum3A_188 = vector.extract %reduce_sum3A_187[0, 0, 0] : f32 from vector<1x1x1xf32>
    %add3A_189 = arith.addf %add3A_158, %reduce_sum3A_188 : f32
    %get3A_190 = arith.constant 0 : index
    %get3A_191 = arith.constant 4096 : index
    %get3A_192 = vector.load %arg3[%get3A_190, %get3A_191] : memref<64x8192xf32, #tpu.memory_space<vmem>>, vector<64x4096xf32>
    %exp3A_193 = math.exp %get3A_192 : vector<64x4096xf32>
    %reduce_sum3A_194 = arith.constant dense<0.000000e+00> : vector<4096xf32>
    %reduce_sum3A_195 = vector.multi_reduction <add>, %exp3A_193, %reduce_sum3A_194 [0] : vector<64x4096xf32> to vector<4096xf32>
    %broadcast_in_dim3A_196 = vector.shape_cast %reduce_sum3A_195 : vector<4096xf32> to vector<1x4096xf32>
    %div3A_197 = arith.constant 1.000000e+00 : f32
    %div3A_198 = vector.broadcast %div3A_197 : f32 to vector<1x4096xf32>
    %div3A_199 = arith.divf %div3A_198, %broadcast_in_dim3A_196 : vector<1x4096xf32>
    %dot_general3A_200 = arith.constant dense<0.000000e+00> : vector<1x64xf32>
    %dot_general3A_201 = tpu.matmul %div3A_199, %exp3A_193, %dot_general3A_200 {dimension_numbers = #tpu.dot_dimension_numbers<[1], [1], [0], [0], [0, 0, 1, 0], [], []>, transpose_lhs_hint = false} : vector<1x4096xf32>, vector<64x4096xf32>, vector<1x64xf32> -> vector<1x64xf32>
    %add3A_202 = arith.addf %dot_general3A_181, %dot_general3A_201 : vector<1x64xf32>
    %log3A_203 = math.log %broadcast_in_dim3A_196 : vector<1x4096xf32>
    %mul3A_204 = arith.mulf %log3A_203, %log3A_203 : vector<1x4096xf32>
    %reduce_sum3A_205 = vector.shape_cast %mul3A_204 : vector<1x4096xf32> to vector<1x1x4096xf32>
    %reduce_sum3A_206 = arith.constant dense<0.000000e+00> : vector<1xf32>
    %reduce_sum3A_207 = vector.multi_reduction <add>, %reduce_sum3A_205, %reduce_sum3A_206 [1, 2] : vector<1x1x4096xf32> to vector<1xf32>
    %reduce_sum3A_208 = vector.shape_cast %reduce_sum3A_207 : vector<1xf32> to vector<1x1x1xf32>
    %reduce_sum3A_209 = vector.extract %reduce_sum3A_208[0, 0, 0] : f32 from vector<1x1x1xf32>
    %add3A_210 = arith.addf %add3A_189, %reduce_sum3A_209 : f32
    %swap3A_211 = arith.constant 3 : index
    %swap3A_212 = arith.constant 0 : index
    %swap3A_213 = arith.constant 0 : index
    %swap3A_214 = vector.load %arg1[%swap3A_211, %swap3A_212, %swap3A_213] : memref<4x1x64xf32, #tpu.memory_space<vmem>>, vector<1x1x64xf32>
    %swap3A_215 = vector.shape_cast %swap3A_214 : vector<1x1x64xf32> to vector<1x64xf32>
    %swap3A_216 = vector.shape_cast %add3A_202 : vector<1x64xf32> to vector<1x1x64xf32>
    tpu.vector_store %arg1[%swap3A_211, %swap3A_212, %swap3A_213], %swap3A_216 {strides = array<i32>} : memref<4x1x64xf32, #tpu.memory_space<vmem>>, vector<1x1x64xf32>,
    %broadcast_in_dim3A_217 = vector.broadcast %add3A_210 : f32 to vector<1x1xf32>
    %swap3A_218 = arith.constant 0 : index
    %swap3A_219 = arith.constant 0 : index
    %swap3A_220 = vector.load %arg2[%swap3A_218, %swap3A_219] : memref<1x1xf32, #tpu.memory_space<vmem>>, vector<1x1xf32>
    tpu.vector_store %arg2[%swap3A_218, %swap3A_219], %broadcast_in_dim3A_217 {strides = array<i32>} : memref<1x1xf32, #tpu.memory_space<vmem>>, vector<1x1xf32>,
    return
  }
}

module attributes {stable_mosaic.version = 14 : i64} {
  func.func @_combine_body(%arg0: memref<4x64xf32, #tpu.memory_space<vmem>>, %arg1: memref<32x64xf32, #tpu.memory_space<vmem>>, %arg2: memref<1x1xf32, #tpu.memory_space<vmem>>, %arg3: memref<1x1xf32, #tpu.memory_space<vmem>>) attributes {dimension_semantics = [], scalar_prefetch = 0 : i64, scratch_operands = 0 : i64, tpu.core_type = #tpu.core_type<tc>} {
    %get3A = arith.constant 0 : index
    %get3A_0 = arith.constant 0 : index
    %get3A_1 = vector.load %arg1[%get3A, %get3A_0] : memref<32x64xf32, #tpu.memory_space<vmem>>, vector<8x64xf32>
    %reduce_sum3A = arith.constant dense<0.000000e+00> : vector<64xf32>
    %reduce_sum3A_2 = vector.multi_reduction <add>, %get3A_1, %reduce_sum3A [0] : vector<8x64xf32> to vector<64xf32>
    %broadcast_in_dim3A = vector.shape_cast %reduce_sum3A_2 : vector<64xf32> to vector<1x64xf32>
    %get3A_3 = arith.constant 0 : index
    %get3A_4 = arith.constant 0 : index
    %get3A_5 = vector.load %arg0[%get3A_3, %get3A_4] : memref<4x64xf32, #tpu.memory_space<vmem>>, vector<1x64xf32>
    %mul3A = arith.mulf %get3A_5, %broadcast_in_dim3A : vector<1x64xf32>
    %reduce_sum3A_6 = vector.shape_cast %mul3A : vector<1x64xf32> to vector<1x1x64xf32>
    %reduce_sum3A_7 = arith.constant dense<0.000000e+00> : vector<1xf32>
    %reduce_sum3A_8 = vector.multi_reduction <add>, %reduce_sum3A_6, %reduce_sum3A_7 [1, 2] : vector<1x1x64xf32> to vector<1xf32>
    %reduce_sum3A_9 = vector.shape_cast %reduce_sum3A_8 : vector<1xf32> to vector<1x1x1xf32>
    %reduce_sum3A_10 = vector.extract %reduce_sum3A_9[0, 0, 0] : f32 from vector<1x1x1xf32>
    %add3A = arith.constant 0.000000e+00 : f32
    %add3A_11 = arith.addf %add3A, %reduce_sum3A_10 : f32
    %get3A_12 = arith.constant 8 : index
    %get3A_13 = arith.constant 0 : index
    %get3A_14 = vector.load %arg1[%get3A_12, %get3A_13] : memref<32x64xf32, #tpu.memory_space<vmem>>, vector<8x64xf32>
    %reduce_sum3A_15 = arith.constant dense<0.000000e+00> : vector<64xf32>
    %reduce_sum3A_16 = vector.multi_reduction <add>, %get3A_14, %reduce_sum3A_15 [0] : vector<8x64xf32> to vector<64xf32>
    %broadcast_in_dim3A_17 = vector.shape_cast %reduce_sum3A_16 : vector<64xf32> to vector<1x64xf32>
    %get3A_18 = arith.constant 1 : index
    %get3A_19 = arith.constant 0 : index
    %get3A_20 = vector.load %arg0[%get3A_18, %get3A_19] : memref<4x64xf32, #tpu.memory_space<vmem>>, vector<1x64xf32>
    %mul3A_21 = arith.mulf %get3A_20, %broadcast_in_dim3A_17 : vector<1x64xf32>
    %reduce_sum3A_22 = vector.shape_cast %mul3A_21 : vector<1x64xf32> to vector<1x1x64xf32>
    %reduce_sum3A_23 = arith.constant dense<0.000000e+00> : vector<1xf32>
    %reduce_sum3A_24 = vector.multi_reduction <add>, %reduce_sum3A_22, %reduce_sum3A_23 [1, 2] : vector<1x1x64xf32> to vector<1xf32>
    %reduce_sum3A_25 = vector.shape_cast %reduce_sum3A_24 : vector<1xf32> to vector<1x1x1xf32>
    %reduce_sum3A_26 = vector.extract %reduce_sum3A_25[0, 0, 0] : f32 from vector<1x1x1xf32>
    %add3A_27 = arith.addf %add3A_11, %reduce_sum3A_26 : f32
    %get3A_28 = arith.constant 16 : index
    %get3A_29 = arith.constant 0 : index
    %get3A_30 = vector.load %arg1[%get3A_28, %get3A_29] : memref<32x64xf32, #tpu.memory_space<vmem>>, vector<8x64xf32>
    %reduce_sum3A_31 = arith.constant dense<0.000000e+00> : vector<64xf32>
    %reduce_sum3A_32 = vector.multi_reduction <add>, %get3A_30, %reduce_sum3A_31 [0] : vector<8x64xf32> to vector<64xf32>
    %broadcast_in_dim3A_33 = vector.shape_cast %reduce_sum3A_32 : vector<64xf32> to vector<1x64xf32>
    %get3A_34 = arith.constant 2 : index
    %get3A_35 = arith.constant 0 : index
    %get3A_36 = vector.load %arg0[%get3A_34, %get3A_35] : memref<4x64xf32, #tpu.memory_space<vmem>>, vector<1x64xf32>
    %mul3A_37 = arith.mulf %get3A_36, %broadcast_in_dim3A_33 : vector<1x64xf32>
    %reduce_sum3A_38 = vector.shape_cast %mul3A_37 : vector<1x64xf32> to vector<1x1x64xf32>
    %reduce_sum3A_39 = arith.constant dense<0.000000e+00> : vector<1xf32>
    %reduce_sum3A_40 = vector.multi_reduction <add>, %reduce_sum3A_38, %reduce_sum3A_39 [1, 2] : vector<1x1x64xf32> to vector<1xf32>
    %reduce_sum3A_41 = vector.shape_cast %reduce_sum3A_40 : vector<1xf32> to vector<1x1x1xf32>
    %reduce_sum3A_42 = vector.extract %reduce_sum3A_41[0, 0, 0] : f32 from vector<1x1x1xf32>
    %add3A_43 = arith.addf %add3A_27, %reduce_sum3A_42 : f32
    %get3A_44 = arith.constant 24 : index
    %get3A_45 = arith.constant 0 : index
    %get3A_46 = vector.load %arg1[%get3A_44, %get3A_45] : memref<32x64xf32, #tpu.memory_space<vmem>>, vector<8x64xf32>
    %reduce_sum3A_47 = arith.constant dense<0.000000e+00> : vector<64xf32>
    %reduce_sum3A_48 = vector.multi_reduction <add>, %get3A_46, %reduce_sum3A_47 [0] : vector<8x64xf32> to vector<64xf32>
    %broadcast_in_dim3A_49 = vector.shape_cast %reduce_sum3A_48 : vector<64xf32> to vector<1x64xf32>
    %get3A_50 = arith.constant 3 : index
    %get3A_51 = arith.constant 0 : index
    %get3A_52 = vector.load %arg0[%get3A_50, %get3A_51] : memref<4x64xf32, #tpu.memory_space<vmem>>, vector<1x64xf32>
    %mul3A_53 = arith.mulf %get3A_52, %broadcast_in_dim3A_49 : vector<1x64xf32>
    %reduce_sum3A_54 = vector.shape_cast %mul3A_53 : vector<1x64xf32> to vector<1x1x64xf32>
    %reduce_sum3A_55 = arith.constant dense<0.000000e+00> : vector<1xf32>
    %reduce_sum3A_56 = vector.multi_reduction <add>, %reduce_sum3A_54, %reduce_sum3A_55 [1, 2] : vector<1x1x64xf32> to vector<1xf32>
    %reduce_sum3A_57 = vector.shape_cast %reduce_sum3A_56 : vector<1xf32> to vector<1x1x1xf32>
    %reduce_sum3A_58 = vector.extract %reduce_sum3A_57[0, 0, 0] : f32 from vector<1x1x1xf32>
    %add3A_59 = arith.addf %add3A_43, %reduce_sum3A_58 : f32
    %get3A_60 = arith.constant 0 : index
    %get3A_61 = arith.constant 0 : index
    %get3A_62 = vector.load %arg2[%get3A_60, %get3A_61] : memref<1x1xf32, #tpu.memory_space<vmem>>, vector<1x1xf32>
    %get3A_63 = vector.extract %get3A_62[0, 0] : f32 from vector<1x1xf32>
    %div3A = arith.constant 3.276800e+04 : f32
    %div3A_64 = arith.divf %get3A_63, %div3A : f32
    %mul3A_65 = arith.constant 1.000000e-03 : f32
    %mul3A_66 = arith.mulf %mul3A_65, %div3A_64 : f32
    %mul3A_67 = arith.constant 1.600000e-01 : f32
    %mul3A_68 = arith.mulf %mul3A_67, %add3A_59 : f32
    %div3A_69 = arith.constant 0x4C800000 : f32
    %div3A_70 = arith.divf %mul3A_68, %div3A_69 : f32
    %add3A_71 = arith.addf %mul3A_66, %div3A_70 : f32
    %broadcast_in_dim3A_72 = vector.broadcast %add3A_71 : f32 to vector<1x1xf32>
    %swap3A = arith.constant 0 : index
    %swap3A_73 = arith.constant 0 : index
    %swap3A_74 = vector.load %arg3[%swap3A, %swap3A_73] : memref<1x1xf32, #tpu.memory_space<vmem>>, vector<1x1xf32>
    tpu.vector_store %arg3[%swap3A, %swap3A_73], %broadcast_in_dim3A_72 {strides = array<i32>} : memref<1x1xf32, #tpu.memory_space<vmem>>, vector<1x1xf32>,
    return
  }
}

</mosaic_0001>

<sc_bundles>
// kernel: kernel.5.cloned.1.call-start
scs
__scs_entry_jumppad:
0x0: {  	(pc) =	sbr.rel $0x88, $3  }
0x1: {  	(tag) =	ssettag $0x0;
	lr =	simm.s32 $0x1  }
0x2: {  	[smem:$0x3F9F] =	sst lr;
	_ =	strace $0xD0000000  }
0x3: {  	_ = 	snop  }
0x4: {  	_ = 	snop  }
0x5: {  	_ = 	snop  }
0x6: {  	_ = 	snop  }
0x7: {  	_ = 	snop  }
__scs_overlays_trampoline_lowered:
0x8: {  	[smem:$0x3FAE] =	sst s0  }
0x9: {  	[smem:$0x3FAF] =	sst s1  }
0xa: {  	[smem:$0x3FB0] =	sst s2  }
0xb: {  	[smem:$0x3FB1] =	sst s3  }
0xc: {  	[smem:$0x3FB2] =	sst s4  }
0xd: {  	[smem:$0x3FB3] =	sst s5  }
0xe: {  	[smem:$0x3FB4] =	sst s6  }
0xf: {  	[smem:$0x3FB5] =	sst s7  }
0x10: {  	[smem:$0x3FB6] =	sst s8  }
0x11: {  	[smem:$0x3FB7] =	sst s9;
	s0 =	simm.s32 @!p0 $0x0  }
0x12: {  	s1 =	sld [smem:$0x3F9D];
	s0 =	simm.s32 @p0 $0x1  }
0x13: {  	[smem:$0x3FB8] =	sst s0;
	s0 =	simm.s32 @!p1 $0x0  }
0x14: {  	s2 =	sld [smem:$0x3F9C];
	s0 =	simm.s32 @p1 $0x1  }
0x15: {  	[smem:$0x3FB9] =	sst s0;
	s0 =	simm.s32 @!p2 $0x0  }
0x16: {  	s3 =	sld [smem:$0x3FDB];
	s0 =	simm.s32 @p2 $0x1  }
0x17: {  	s4 =	simm.s32 $0x1BF5;
	[smem:$0x3FBB] =	sst s0  }
0x18: {  	s0 =	sld [smem:$0x3F9E];
	_ =	swait.ge [sflag:s4], $0x0  }
0x19: {  	s7 =	sld [smem:$0x3F9F]  }
0x1a: {  	s8 =	sadd.s32 $0xFFFFE003, lr  }
0x1b: {  	s9 =	sadd.s32 $0xFFFFFEF7, lr;
	s5 =	simm.s32 $0xFFFFFFFF;
	p2 =	slt.u32 s8, $0xFFFFF086  }
0x1c: {  	p1 =	slt.u32 s9, $0xF7A;
	s5 =	simm.s32 @!p2 $0x0  }
0x1d: {  	s5 =	simm.s32 @p1 $0x1;
	p0 =	seq.s32 s7, s2  }
0x1e: {  	s7 =	smul.u32 @!p0 $0xF7A, s2;
	p2 =	seq.s32 @!p0 s5, $0x0  }
0x1f: {  	s9 =	smul.u32 $0xF7A, s1;
	s8 =	simm.s32 @!p0 $0x1BF5;
	p2 =	por !p2, p0  }
0x20: {  	[sflag:s8] =	ssyncset.s32 @!p0 $0xFFFFF086;
	s6 =	sadd.s32 @!p0 s3, s7;
	s7 =	simm.s32 @!p0 $0x108  }
0x21: {  	s3 =	sadd.s32 s3, s9;
	s6 =	sadd.s32 @!p0 $0x88, s6;
	s7 =	simm.s32 @p2 $0x1082  }
0x22: {  	[simem:s7], [sflag:s8] =	dma.local @!p0 [hbm:s6], $0xF7A  }
0x23: {  	s9 =	sor.u32 $0xD0000000, s2;
	s6 =	simm.s32 $0x108;
	_ =	swait.ge @!p0 [sflag:s8], $0x0  }
0x24: {  	s3 =	sadd.s32 $0x88, s3;
	s6 =	simm.s32 @!p1 $0x1082;
	[sflag:s4] =	ssyncset.s32 $0xFFFFF086  }
0x25: {  	[simem:s6], [sflag:s4] =	dma.local [hbm:s3], $0xF7A  }
0x26: {  	[smem:$0x3F9F] =	sst s1;
	(tag) =	ssettag s2;
	_ =	strace s9  }
0x27: {  	s1 =	sld [smem:$0x3FAF]  }
0x28: {  	s2 =	sld [smem:$0x3FB0]  }
0x29: {  	s4 =	sld [smem:$0x3FB2]  }
0x2a: {  	p0 =	seq.s32 s5, $0x0;
	s5 =	sld [smem:$0x3FB3]  }
0x2b: {  	s6 =	sld [smem:$0x3FB4]  }
0x2c: {  	s7 =	sld [smem:$0x3FB5]  }
0x2d: {  	s3 =	simm.s32 $0x108;
	s8 =	sld [smem:$0x3FB6]  }
0x2e: {  	s3 =	simm.s32 @!p0 $0x1082;
	s9 =	sld [smem:$0x3FB7]  }
0x2f: {  	lr =	sadd.s32 s0, s3;
	s0 =	sld [smem:$0x3FAE]  }
0x30: {  	s3 =	sld [smem:$0x3FB1]  }
0x31: {  	[smem:$0x3FBA] =	sst s10  }
0x32: {  	s10 =	sld [smem:$0x3FB8];
	_ =	sdelay $0x3  }
0x33: {  	p0 =	seq.s32 s10, $0x1;
	s10 =	sld [smem:$0x3FBA];
	_ =	sdelay $0x3  }
0x34: {  	[smem:$0x3FBA] =	sst s10  }
0x35: {  	s10 =	sld [smem:$0x3FB9];
	_ =	sdelay $0x3  }
0x36: {  	p1 =	seq.s32 s10, $0x1;
	s10 =	sld [smem:$0x3FBA];
	_ =	sdelay $0x3  }
0x37: {  	[smem:$0x3FBA] =	sst s10  }
0x38: {  	s10 =	sld [smem:$0x3FBB]  }
0x39: {  	_ = 	snop;
	(pc) =	sbr.ind lr, $3  }
0x3a: {  	_ = 	snop  }
0x3b: {  	_ = 	snop  }
0x3c: {  	p2 =	seq.s32 s10, $0x1;
	s10 =	sld [smem:$0x3FBA]  }
0x3d: {  	_ =	shalt  }
0x3e: {  	_ =	shalt  }
0x3f: {  	_ =	shalt  }
0x40: {  	_ =	shalt  }
0x41: {  	_ =	shalt  }
0x42: {  	_ =	shalt  }
0x43: {  	_ =	shalt  }
0x44: {  	_ =	shalt  }
0x45: {  	_ =	shalt  }
0x46: {  	_ =	shalt  }
0x47: {  	_ =	shalt  }
0x48: {  	_ =	shalt  }
0x49: {  	_ =	shalt  }
0x4a: {  	_ =	shalt  }
0x4b: {  	_ =	shalt  }
0x4c: {  	_ =	shalt  }
0x4d: {  	_ =	shalt  }
0x4e: {  	_ =	shalt  }
0x4f: {  	_ =	shalt  }
0x50: {  	_ =	shalt  }
0x51: {  	_ =	shalt  }
0x52: {  	_ =	shalt  }
0x53: {  	_ =	shalt  }
0x54: {  	_ =	shalt  }
0x55: {  	_ =	shalt  }
0x56: {  	_ =	shalt  }
0x57: {  	_ =	shalt  }
0x58: {  	_ =	shalt  }
0x59: {  	_ =	shalt  }
0x5a: {  	_ =	shalt  }
0x5b: {  	_ =	shalt  }
0x5c: {  	_ =	shalt  }
0x5d: {  	_ =	shalt  }
0x5e: {  	_ =	shalt  }
0x5f: {  	_ =	shalt  }
0x60: {  	_ =	shalt  }
0x61: {  	_ =	shalt  }
0x62: {  	_ =	shalt  }
0x63: {  	_ =	shalt  }
0x64: {  	_ =	shalt  }
0x65: {  	_ =	shalt  }
0x66: {  	_ =	shalt  }
0x67: {  	_ =	shalt  }
0x68: {  	_ =	shalt  }
0x69: {  	_ =	shalt  }
0x6a: {  	_ =	shalt  }
0x6b: {  	_ =	shalt  }
0x6c: {  	_ =	shalt  }
0x6d: {  	_ =	shalt  }
0x6e: {  	_ =	shalt  }
0x6f: {  	_ =	shalt  }
0x70: {  	_ =	shalt  }
0x71: {  	_ =	shalt  }
0x72: {  	_ =	shalt  }
0x73: {  	_ =	shalt  }
0x74: {  	_ =	shalt  }
0x75: {  	_ =	shalt  }
0x76: {  	_ =	shalt  }
0x77: {  	_ =	shalt  }
0x78: {  	_ =	shalt  }
0x79: {  	_ =	shalt  }
0x7a: {  	_ =	shalt  }
0x7b: {  	_ =	shalt  }
0x7c: {  	_ =	shalt  }
0x7d: {  	_ =	shalt  }
0x7e: {  	_ =	shalt  }
0x7f: {  	_ =	shalt  }
0x80: {  	_ =	shalt  }
0x81: {  	_ =	shalt  }
0x82: {  	_ =	shalt  }
0x83: {  	_ =	shalt  }
0x84: {  	_ =	shalt  }
0x85: {  	_ =	shalt  }
0x86: {  	_ =	shalt  }
0x87: {  	_ =	shalt  }
.Lfunc_end0:
.L_simem_size_0:
called_computation_lowered:
.L_overlay_start_0:
0x88: {  	s2 =	sld [smem:$0x3FD9]  }
0x89: {  	s3 =	sld [smem:$0x3FFE];
	_ =	sdelay $0x1  }
0x8a: {  	s1 =	srdreg.scid  }
0x8b: {  	s0 =	sand.u32 $0x1, s1  }
0x8c: {  	s17 =	sshll.u32 s0, $0xA;
	s2 =	sadd.s32 s3, s2  }
0x8d: {  	s2 =	sadd.s32 s2, s17  }
0x8e: {  	[smem:$0x3FC6] =	sst s2  }
0x8f: {  	_ = 	snop  }
0x90: {  	s2 =	sld [smem:$0x3FC8];
	(tm) =	ssettm $0x1  }
0x91: {  	s18 =	sld [smem:$0x3FFB];
	_ =	sdelay $0x3  }
0x92: {  	_ =	strace s18  }
0x93: {  	s3 =	sld [smem:$0x3FFC];
	_ =	sdelay $0x3  }
0x94: {  	_ =	strace s3  }
0x95: {  	s3 =	sld [smem:$0x3FFD];
	_ =	sdelay $0x3  }
0x96: {  	_ =	strace s3  }
0x97: {  	_ =	strace $0x8FFFFFFF  }
0x98: {  	s19 =	sld [smem:$0x3FDB];
	_ =	sdelay $0x1  }
0x99: {  	s4 =	simm.s32 $_scs_section_size  }
0x9a: {  	s5 =	simm.s32 $_size__tile_overlayer_lowered;
	s6 =	simm.s32 $_tile_overlayer_lowered  }
0x9b: {  	s22 =	simm.s32 $0x1BFF;
	s21 =	sshll.u32 s6, $0x1;
	s3 =	sadd.s32 s4, s19  }
0x9c: {  	s7 =	simm.s32 $0x0;
	s20 =	sshll.u32 s5, $0x1;
	s5 =	sadd.s32 s21, s3  }
0x9d: {  	[timem:s7], [sflag:s22] =	dma.local [hbm:s5], s20  }
0x9e: {  	_ =	swait.ge [sflag:s22], s20  }
0x9f: {  	s4 =	ssub.s32 $0x0, s20;
	[sflag:s22] =	ssyncset.done $0x0  }
0xa0: {  	[sflag:s22] =	ssyncadd.s32 s4;
	_ =	sdelay $0x1  }
0xa1: {  	s23 =	simm.s32 $0x1B8B  }
0xa2: {  	_ =	swait.ge [sflag:s23], $0x1  }
0xa3: {  	[sflag:s23] =	ssyncset.done $0x0  }
0xa4: {  	s25 =	simm.s32 $0x1B8E;
	s24 =	sld [smem:$0x3FFE];
	[sflag:s23] =	ssyncadd.s32 $0xFFFFFFFF  }
0xa5: {  	s26 =	simm.s32 $execute0_lowered;
	[smem:$0x3FD2] =	sst s25  }
0xa6: {  	s5 =	sshll.u32 s26, $0x1;
	_ =	strace $0x80000046;
	[dreg:$0x1] =	wrdreg $0xFFFFFFFF  }
0xa7: {  	s28 =	simm.s32 $_size_execute0_lowered;
	s3 =	sadd.s32 s3, s5;
	[dreg:$0x0] =	wrdreg $0x0  }
0xa8: {  	s5 =	sshll.u32 s28, $0x1;
	[dreg:$0x2] =	wrdreg s3  }
0xa9: {  	[dreg:$0x3] =	wrdreg s5  }
0xaa: {  	[dreg:$0x4] =	wrdreg $0xC0  }
0xab: {  	_ =	task [dreg:s7], $0x5FFFF  }
0xac: {  	[dreg:$0x1] =	wrdreg $0xFFFFFFFF  }
0xad: {  	[dreg:$0x0] =	wrdreg $0x60  }
0xae: {  	[dreg:$0x2] =	wrdreg s2  }
0xaf: {  	[dreg:$0x3] =	wrdreg s24  }
0xb0: {  	[dreg:$0x4] =	wrdreg $0x9  }
0xb1: {  	_ =	task.clear_ibuf [dreg:s7], $0x5FFFF;
	_ =	strace $0x90000046  }
0xb2: {  	s29 =	simm.s32 $0x9;
	_ =	strace $0x80000048  }
0xb3: {  	_ =	swait.ge [sflag:s29], $0x1  }
0xb4: {  	[sflag:s29] =	ssyncadd.s32 $0xFFFFFFFF  }
0xb5: {  	_ =	strace $0x90000048  }
0xb6: {  	_ =	sfence  }
0xb7: {  	s30 =	sld [smem:$0x0];
	_ =	sdelay $0x2  }
0xb8: {  	s31 =	sshll.u32 s1, $0xD;
	s1 =	sshrl.u32 s1, $0x2  }
0xb9: {  	s3 =	sand.u32 $0x4000, s31;
	s1 =	sadd.s32 s1, s30  }
0xba: {  	s0 =	sor.u32 s3, s0;
	s1 =	sshll.u32 s1, $0x11  }
0xbb: {  	s0 =	sor.u32 s1, s0  }
0xbc: {  	s0 =	sadd.s32 $0x8F2B, s0  }
0xbd: {  	[sflag:s0] =	ssyncadd.remote.s32 $0x1  }
0xbe: {  	_ =	sfence.sel $0xFFFF  }
0xbf: {  	[dreg:$0x0] =	wrdreg $0xFFFFFFFF;
	(pc) =	sbr.abs _section_cstart, $3  }
0xc0: {  	[dreg:$0x1] =	wrdreg $0xFFFFFFFF  }
0xc1: {  	_ =	task.clear_ibuf [dreg:s7], $0x2FFFF;
	_ =	strace $0x9FFFFFFF  }
0xc2: {  	(tm) =	ssettm $0x7FFFFFFF  }
0xc3: {  	_ =	shalt  }
tec
execute0_lowered:
.L_overlay_start_1:
0x0: {  	(tag) =	ssettag $0x1  }
0x1: {  	s3 =	rddreg [dreg:$0x0];
	s1 =	srdreg.scid  }
0x2: {  	s0 =	stileid.u32;
	s4 =	rddreg [dreg:$0x1];
	s2 =	simm.s32 $0x0  }
0x3: {  	s5 =	sand.u32 $0x1, s1;
	s6 =	sshll.u32 s0, $0x1;
	s1 =	rddreg [dreg:$0x2]  }
0x4: {  	[smem:$0x7FF] =	sst s2;
	s30 =	sshll.u32 s0, $0x9;
	s6 =	sor.u32 s5, s6  }
0x5: {  	_ =	strace $0x80000047;
	s5 =	ssub.s32 $0x2, s5;
	s7 =	sshll.u32 s6, $0x4  }
0x6: {  	s6 =	sshll.u32 s6, $0x8;
	s31 =	sshrl.u32 s5, $0x1;
	s4 =	sadd.s32 s7, s4  }
0x7: {  	s7 =	sand.u32 $0x1800, s30;
	s6 =	sand.u32 $0x700, s6;
	s5 =	ssub.s32 s5, s31  }
0x8: {  	s3 =	sadd.s32 s3, s7;
	s4 =	sadd.s32 $0x800, s4;
	s5 =	smax.u32 s5, $0x1  }
0x9: {  	v0 =	vimm.f32 $0.0e+00;
	v1 =	vimm.f32 $1.000000000e+00;
	s7 =	simm.s32 $0x800;
	s3 =	sadd.s32 s6, s3;
	s6 =	simm.s32 $0x1  }
.LBB2_1:
0xa: {  	[tilespmem:s2], [sflag:$0x1] =	stream.linear.gather [hbm4b:s3+s2], $0x800, $0x38;
	[tilespmem:$0x880] =	vst v63  }
0xb: {  	_ =	swait.ge [sflag:s6], $0x800  }
0xc: {  	[sflag:s6] =	ssyncset.done $0x0  }
0xd: {  	[sflag:s6] =	ssyncadd.s32 $0xFFFFF800  }
0xe: {  	v2 =	vld [tilespmem:$0x0]  }
0xf: {  	v3 =	vld [tilespmem:$0x80];
	_ =	sdelay $0x4  }
0x10: {  	vm0 =	vne.s32 v3, v2  }
0x11: {  	[tilespmem:$0x800] =	vst v0  }
0x12: {  	[tilespmem:$0x810] =	vst v0  }
0x13: {  	[tilespmem:$0x820] =	vst v0  }
0x14: {  	[tilespmem:$0x830] =	vst v0  }
0x15: {  	[tilespmem:v2+s7+$0x0] =	vst.idx.add.f32.msk $0xffff, v1  }
0x16: {  	[tilespmem:v3+s7+$0x0] =	vst.idx.add.f32.msk vm0, v1  }
0x17: {  	v2 =	vld [tilespmem:$0x10]  }
0x18: {  	v3 =	vld [tilespmem:$0x90];
	_ =	sdelay $0x4  }
0x19: {  	vm13 =	vne.s32 v3, v2;
	_ =	sdelay $0x4  }
0x1a: {  	[tilespmem:v2+s7+$0x0] =	vst.idx.add.f32.msk $0xffff, v1  }
0x1b: {  	[tilespmem:v3+s7+$0x0] =	vst.idx.add.f32.msk vm13, v1  }
0x1c: {  	v2 =	vld [tilespmem:$0x20]  }
0x1d: {  	v3 =	vld [tilespmem:$0xA0];
	_ =	sdelay $0x4  }
0x1e: {  	vm14 =	vne.s32 v3, v2;
	_ =	sdelay $0x4  }
0x1f: {  	[tilespmem:v2+s7+$0x0] =	vst.idx.add.f32.msk $0xffff, v1  }
0x20: {  	[tilespmem:v3+s7+$0x0] =	vst.idx.add.f32.msk vm14, v1  }
0x21: {  	v2 =	vld [tilespmem:$0x30]  }
0x22: {  	v3 =	vld [tilespmem:$0xB0];
	_ =	sdelay $0x4  }
0x23: {  	vm15 =	vne.s32 v3, v2;
	_ =	sdelay $0x4  }
0x24: {  	[tilespmem:v2+s7+$0x0] =	vst.idx.add.f32.msk $0xffff, v1  }
0x25: {  	[tilespmem:v3+s7+$0x0] =	vst.idx.add.f32.msk vm15, v1  }
0x26: {  	v2 =	vld [tilespmem:$0x40]  }
0x27: {  	v3 =	vld [tilespmem:$0xC0];
	_ =	sdelay $0x4  }
0x28: {  	vm4 =	vne.s32 v3, v2;
	_ =	sdelay $0x4  }
0x29: {  	[tilespmem:v2+s7+$0x0] =	vst.idx.add.f32.msk $0xffff, v1  }
0x2a: {  	[tilespmem:v3+s7+$0x0] =	vst.idx.add.f32.msk vm4, v1  }
0x2b: {  	v2 =	vld [tilespmem:$0x50]  }
0x2c: {  	v3 =	vld [tilespmem:$0xD0];
	_ =	sdelay $0x4  }
0x2d: {  	vm5 =	vne.s32 v3, v2;
	_ =	sdelay $0x4  }
0x2e: {  	[tilespmem:v2+s7+$0x0] =	vst.idx.add.f32.msk $0xffff, v1  }
0x2f: {  	[tilespmem:v3+s7+$0x0] =	vst.idx.add.f32.msk vm5, v1  }
0x30: {  	v2 =	vld [tilespmem:$0x60]  }
0x31: {  	v3 =	vld [tilespmem:$0xE0];
	_ =	sdelay $0x4  }
0x32: {  	vm6 =	vne.s32 v3, v2;
	_ =	sdelay $0x4  }
0x33: {  	[tilespmem:v2+s7+$0x0] =	vst.idx.add.f32.msk $0xffff, v1  }
0x34: {  	[tilespmem:v3+s7+$0x0] =	vst.idx.add.f32.msk vm6, v1  }
0x35: {  	v2 =	vld [tilespmem:$0x70]  }
0x36: {  	v3 =	vld [tilespmem:$0xF0];
	_ =	sdelay $0x4  }
0x37: {  	vm7 =	vne.s32 v3, v2;
	_ =	sdelay $0x4  }
0x38: {  	[tilespmem:v2+s7+$0x0] =	vst.idx.add.f32.msk $0xffff, v1  }
0x39: {  	[tilespmem:v3+s7+$0x0] =	vst.idx.add.f32.msk vm7, v1  }
0x3a: {  	v2 =	vld [tilespmem:$0x100]  }
0x3b: {  	v3 =	vld [tilespmem:$0x180];
	_ =	sdelay $0x4  }
0x3c: {  	vm8 =	vne.s32 v3, v2;
	_ =	sdelay $0x4  }
0x3d: {  	[tilespmem:v2+s7+$0x0] =	vst.idx.add.f32.msk $0xffff, v1  }
0x3e: {  	[tilespmem:v3+s7+$0x0] =	vst.idx.add.f32.msk vm8, v1  }
0x3f: {  	v2 =	vld [tilespmem:$0x110]  }
0x40: {  	v3 =	vld [tilespmem:$0x190];
	_ =	sdelay $0x4  }
0x41: {  	vm9 =	vne.s32 v3, v2;
	_ =	sdelay $0x4  }
0x42: {  	[tilespmem:v2+s7+$0x0] =	vst.idx.add.f32.msk $0xffff, v1  }
0x43: {  	[tilespmem:v3+s7+$0x0] =	vst.idx.add.f32.msk vm9, v1  }
0x44: {  	v2 =	vld [tilespmem:$0x120]  }
0x45: {  	v3 =	vld [tilespmem:$0x1A0];
	_ =	sdelay $0x4  }
0x46: {  	vm10 =	vne.s32 v3, v2;
	_ =	sdelay $0x4  }
0x47: {  	[tilespmem:v2+s7+$0x0] =	vst.idx.add.f32.msk $0xffff, v1  }
0x48: {  	[tilespmem:v3+s7+$0x0] =	vst.idx.add.f32.msk vm10, v1  }
0x49: {  	v2 =	vld [tilespmem:$0x130]  }
0x4a: {  	v3 =	vld [tilespmem:$0x1B0];
	_ =	sdelay $0x4  }
0x4b: {  	vm11 =	vne.s32 v3, v2;
	_ =	sdelay $0x4  }
0x4c: {  	[tilespmem:v2+s7+$0x0] =	vst.idx.add.f32.msk $0xffff, v1  }
0x4d: {  	[tilespmem:v3+s7+$0x0] =	vst.idx.add.f32.msk vm11, v1  }
0x4e: {  	v2 =	vld [tilespmem:$0x140]  }
0x4f: {  	v3 =	vld [tilespmem:$0x1C0];
	_ =	sdelay $0x4  }
0x50: {  	vm12 =	vne.s32 v3, v2;
	_ =	sdelay $0x4  }
0x51: {  	[tilespmem:v2+s7+$0x0] =	vst.idx.add.f32.msk $0xffff, v1  }
0x52: {  	[tilespmem:v3+s7+$0x0] =	vst.idx.add.f32.msk vm12, v1  }
0x53: {  	v2 =	vld [tilespmem:$0x150]  }
0x54: {  	v3 =	vld [tilespmem:$0x1D0];
	_ =	sdelay $0x4  }
0x55: {  	vm13 =	vne.s32 v3, v2;
	_ =	sdelay $0x4  }
0x56: {  	[tilespmem:v2+s7+$0x0] =	vst.idx.add.f32.msk $0xffff, v1  }
0x57: {  	[tilespmem:v3+s7+$0x0] =	vst.idx.add.f32.msk vm13, v1  }
0x58: {  	v2 =	vld [tilespmem:$0x160]  }
0x59: {  	v3 =	vld [tilespmem:$0x1E0];
	_ =	sdelay $0x4  }
0x5a: {  	vm14 =	vne.s32 v3, v2;
	_ =	sdelay $0x4  }
0x5b: {  	[tilespmem:v2+s7+$0x0] =	vst.idx.add.f32.msk $0xffff, v1  }
0x5c: {  	[tilespmem:v3+s7+$0x0] =	vst.idx.add.f32.msk vm14, v1  }
0x5d: {  	v2 =	vld [tilespmem:$0x170]  }
0x5e: {  	v3 =	vld [tilespmem:$0x1F0];
	_ =	sdelay $0x4  }
0x5f: {  	vm15 =	vne.s32 v3, v2;
	_ =	sdelay $0x4  }
0x60: {  	[tilespmem:v2+s7+$0x0] =	vst.idx.add.f32.msk $0xffff, v1  }
0x61: {  	[tilespmem:v3+s7+$0x0] =	vst.idx.add.f32.msk vm15, v1  }
0x62: {  	v2 =	vld [tilespmem:$0x200]  }
0x63: {  	v3 =	vld [tilespmem:$0x280];
	_ =	sdelay $0x4  }
0x64: {  	vm4 =	vne.s32 v3, v2;
	_ =	sdelay $0x4  }
0x65: {  	[tilespmem:v2+s7+$0x0] =	vst.idx.add.f32.msk $0xffff, v1  }
0x66: {  	[tilespmem:v3+s7+$0x0] =	vst.idx.add.f32.msk vm4, v1  }
0x67: {  	v2 =	vld [tilespmem:$0x210]  }
0x68: {  	v3 =	vld [tilespmem:$0x290];
	_ =	sdelay $0x4  }
0x69: {  	vm5 =	vne.s32 v3, v2;
	_ =	sdelay $0x4  }
0x6a: {  	[tilespmem:v2+s7+$0x0] =	vst.idx.add.f32.msk $0xffff, v1  }
0x6b: {  	[tilespmem:v3+s7+$0x0] =	vst.idx.add.f32.msk vm5, v1  }
0x6c: {  	v2 =	vld [tilespmem:$0x220]  }
0x6d: {  	v3 =	vld [tilespmem:$0x2A0];
	_ =	sdelay $0x4  }
0x6e: {  	vm6 =	vne.s32 v3, v2;
	_ =	sdelay $0x4  }
0x6f: {  	[tilespmem:v2+s7+$0x0] =	vst.idx.add.f32.msk $0xffff, v1  }
0x70: {  	[tilespmem:v3+s7+$0x0] =	vst.idx.add.f32.msk vm6, v1  }
0x71: {  	v2 =	vld [tilespmem:$0x230]  }
0x72: {  	v3 =	vld [tilespmem:$0x2B0];
	_ =	sdelay $0x4  }
0x73: {  	vm7 =	vne.s32 v3, v2;
	_ =	sdelay $0x4  }
0x74: {  	[tilespmem:v2+s7+$0x0] =	vst.idx.add.f32.msk $0xffff, v1  }
0x75: {  	[tilespmem:v3+s7+$0x0] =	vst.idx.add.f32.msk vm7, v1  }
0x76: {  	v2 =	vld [tilespmem:$0x240]  }
0x77: {  	v3 =	vld [tilespmem:$0x2C0];
	_ =	sdelay $0x4  }
0x78: {  	vm8 =	vne.s32 v3, v2;
	_ =	sdelay $0x4  }
0x79: {  	[tilespmem:v2+s7+$0x0] =	vst.idx.add.f32.msk $0xffff, v1  }
0x7a: {  	[tilespmem:v3+s7+$0x0] =	vst.idx.add.f32.msk vm8, v1  }
0x7b: {  	v2 =	vld [tilespmem:$0x250]  }
0x7c: {  	v3 =	vld [tilespmem:$0x2D0];
	_ =	sdelay $0x4  }
0x7d: {  	vm9 =	vne.s32 v3, v2;
	_ =	sdelay $0x4  }
0x7e: {  	[tilespmem:v2+s7+$0x0] =	vst.idx.add.f32.msk $0xffff, v1  }
0x7f: {  	[tilespmem:v3+s7+$0x0] =	vst.idx.add.f32.msk vm9, v1  }
0x80: {  	v2 =	vld [tilespmem:$0x260]  }
0x81: {  	v3 =	vld [tilespmem:$0x2E0];
	_ =	sdelay $0x4  }
0x82: {  	vm10 =	vne.s32 v3, v2;
	_ =	sdelay $0x4  }
0x83: {  	[tilespmem:v2+s7+$0x0] =	vst.idx.add.f32.msk $0xffff, v1  }
0x84: {  	[tilespmem:v3+s7+$0x0] =	vst.idx.add.f32.msk vm10, v1  }
0x85: {  	v2 =	vld [tilespmem:$0x270]  }
0x86: {  	v3 =	vld [tilespmem:$0x2F0];
	_ =	sdelay $0x4  }
0x87: {  	vm11 =	vne.s32 v3, v2;
	_ =	sdelay $0x4  }
0x88: {  	[tilespmem:v2+s7+$0x0] =	vst.idx.add.f32.msk $0xffff, v1  }
0x89: {  	[tilespmem:v3+s7+$0x0] =	vst.idx.add.f32.msk vm11, v1  }
0x8a: {  	v2 =	vld [tilespmem:$0x300]  }
0x8b: {  	v3 =	vld [tilespmem:$0x380];
	_ =	sdelay $0x4  }
0x8c: {  	vm12 =	vne.s32 v3, v2;
	_ =	sdelay $0x4  }
0x8d: {  	[tilespmem:v2+s7+$0x0] =	vst.idx.add.f32.msk $0xffff, v1  }
0x8e: {  	[tilespmem:v3+s7+$0x0] =	vst.idx.add.f32.msk vm12, v1  }
0x8f: {  	v2 =	vld [tilespmem:$0x310]  }
0x90: {  	v3 =	vld [tilespmem:$0x390];
	_ =	sdelay $0x4  }
0x91: {  	vm13 =	vne.s32 v3, v2;
	_ =	sdelay $0x4  }
0x92: {  	[tilespmem:v2+s7+$0x0] =	vst.idx.add.f32.msk $0xffff, v1  }
0x93: {  	[tilespmem:v3+s7+$0x0] =	vst.idx.add.f32.msk vm13, v1  }
0x94: {  	v2 =	vld [tilespmem:$0x320]  }
0x95: {  	v3 =	vld [tilespmem:$0x3A0];
	_ =	sdelay $0x4  }
0x96: {  	vm14 =	vne.s32 v3, v2;
	_ =	sdelay $0x4  }
0x97: {  	[tilespmem:v2+s7+$0x0] =	vst.idx.add.f32.msk $0xffff, v1  }
0x98: {  	[tilespmem:v3+s7+$0x0] =	vst.idx.add.f32.msk vm14, v1  }
0x99: {  	v2 =	vld [tilespmem:$0x330]  }
0x9a: {  	v3 =	vld [tilespmem:$0x3B0];
	_ =	sdelay $0x4  }
0x9b: {  	vm15 =	vne.s32 v3, v2;
	_ =	sdelay $0x4  }
0x9c: {  	[tilespmem:v2+s7+$0x0] =	vst.idx.add.f32.msk $0xffff, v1  }
0x9d: {  	[tilespmem:v3+s7+$0x0] =	vst.idx.add.f32.msk vm15, v1  }
0x9e: {  	v2 =	vld [tilespmem:$0x340]  }
0x9f: {  	v3 =	vld [tilespmem:$0x3C0];
	_ =	sdelay $0x4  }
0xa0: {  	vm4 =	vne.s32 v3, v2;
	_ =	sdelay $0x4  }
0xa1: {  	[tilespmem:v2+s7+$0x0] =	vst.idx.add.f32.msk $0xffff, v1  }
0xa2: {  	[tilespmem:v3+s7+$0x0] =	vst.idx.add.f32.msk vm4, v1  }
0xa3: {  	v2 =	vld [tilespmem:$0x350]  }
0xa4: {  	v3 =	vld [tilespmem:$0x3D0];
	_ =	sdelay $0x4  }
0xa5: {  	vm5 =	vne.s32 v3, v2;
	_ =	sdelay $0x4  }
0xa6: {  	[tilespmem:v2+s7+$0x0] =	vst.idx.add.f32.msk $0xffff, v1  }
0xa7: {  	[tilespmem:v3+s7+$0x0] =	vst.idx.add.f32.msk vm5, v1  }
0xa8: {  	v2 =	vld [tilespmem:$0x360]  }
0xa9: {  	v3 =	vld [tilespmem:$0x3E0];
	_ =	sdelay $0x4  }
0xaa: {  	vm6 =	vne.s32 v3, v2;
	_ =	sdelay $0x4  }
0xab: {  	[tilespmem:v2+s7+$0x0] =	vst.idx.add.f32.msk $0xffff, v1  }
0xac: {  	[tilespmem:v3+s7+$0x0] =	vst.idx.add.f32.msk vm6, v1  }
0xad: {  	v2 =	vld [tilespmem:$0x370]  }
0xae: {  	v3 =	vld [tilespmem:$0x3F0];
	_ =	sdelay $0x4  }
0xaf: {  	vm7 =	vne.s32 v3, v2;
	_ =	sdelay $0x4  }
0xb0: {  	[tilespmem:v2+s7+$0x0] =	vst.idx.add.f32.msk $0xffff, v1  }
0xb1: {  	[tilespmem:v3+s7+$0x0] =	vst.idx.add.f32.msk vm7, v1  }
0xb2: {  	v2 =	vld [tilespmem:$0x400]  }
0xb3: {  	v3 =	vld [tilespmem:$0x480];
	_ =	sdelay $0x4  }
0xb4: {  	vm8 =	vne.s32 v3, v2;
	_ =	sdelay $0x4  }
0xb5: {  	[tilespmem:v2+s7+$0x0] =	vst.idx.add.f32.msk $0xffff, v1  }
0xb6: {  	[tilespmem:v3+s7+$0x0] =	vst.idx.add.f32.msk vm8, v1  }
0xb7: {  	v2 =	vld [tilespmem:$0x410]  }
0xb8: {  	v3 =	vld [tilespmem:$0x490];
	_ =	sdelay $0x4  }
0xb9: {  	vm9 =	vne.s32 v3, v2;
	_ =	sdelay $0x4  }
0xba: {  	[tilespmem:v2+s7+$0x0] =	vst.idx.add.f32.msk $0xffff, v1  }
0xbb: {  	[tilespmem:v3+s7+$0x0] =	vst.idx.add.f32.msk vm9, v1  }
0xbc: {  	v2 =	vld [tilespmem:$0x420]  }
0xbd: {  	v3 =	vld [tilespmem:$0x4A0];
	_ =	sdelay $0x4  }
0xbe: {  	vm10 =	vne.s32 v3, v2;
	_ =	sdelay $0x4  }
0xbf: {  	[tilespmem:v2+s7+$0x0] =	vst.idx.add.f32.msk $0xffff, v1  }
0xc0: {  	[tilespmem:v3+s7+$0x0] =	vst.idx.add.f32.msk vm10, v1  }
0xc1: {  	v2 =	vld [tilespmem:$0x430]  }
0xc2: {  	v3 =	vld [tilespmem:$0x4B0];
	_ =	sdelay $0x4  }
0xc3: {  	vm11 =	vne.s32 v3, v2;
	_ =	sdelay $0x4  }
0xc4: {  	[tilespmem:v2+s7+$0x0] =	vst.idx.add.f32.msk $0xffff, v1  }
0xc5: {  	[tilespmem:v3+s7+$0x0] =	vst.idx.add.f32.msk vm11, v1  }
0xc6: {  	v2 =	vld [tilespmem:$0x440]  }
0xc7: {  	v3 =	vld [tilespmem:$0x4C0];
	_ =	sdelay $0x4  }
0xc8: {  	vm12 =	vne.s32 v3, v2;
	_ =	sdelay $0x4  }
0xc9: {  	[tilespmem:v2+s7+$0x0] =	vst.idx.add.f32.msk $0xffff, v1  }
0xca: {  	[tilespmem:v3+s7+$0x0] =	vst.idx.add.f32.msk vm12, v1  }
0xcb: {  	v2 =	vld [tilespmem:$0x450]  }
0xcc: {  	v3 =	vld [tilespmem:$0x4D0];
	_ =	sdelay $0x4  }
0xcd: {  	vm13 =	vne.s32 v3, v2;
	_ =	sdelay $0x4  }
0xce: {  	[tilespmem:v2+s7+$0x0] =	vst.idx.add.f32.msk $0xffff, v1  }
0xcf: {  	[tilespmem:v3+s7+$0x0] =	vst.idx.add.f32.msk vm13, v1  }
0xd0: {  	v2 =	vld [tilespmem:$0x460]  }
0xd1: {  	v3 =	vld [tilespmem:$0x4E0];
	_ =	sdelay $0x4  }
0xd2: {  	vm14 =	vne.s32 v3, v2;
	_ =	sdelay $0x4  }
0xd3: {  	[tilespmem:v2+s7+$0x0] =	vst.idx.add.f32.msk $0xffff, v1  }
0xd4: {  	[tilespmem:v3+s7+$0x0] =	vst.idx.add.f32.msk vm14, v1  }
0xd5: {  	v2 =	vld [tilespmem:$0x470]  }
0xd6: {  	v3 =	vld [tilespmem:$0x4F0];
	_ =	sdelay $0x4  }
0xd7: {  	vm15 =	vne.s32 v3, v2;
	_ =	sdelay $0x4  }
0xd8: {  	[tilespmem:v2+s7+$0x0] =	vst.idx.add.f32.msk $0xffff, v1  }
0xd9: {  	[tilespmem:v3+s7+$0x0] =	vst.idx.add.f32.msk vm15, v1  }
0xda: {  	v2 =	vld [tilespmem:$0x500]  }
0xdb: {  	v3 =	vld [tilespmem:$0x580];
	_ =	sdelay $0x4  }
0xdc: {  	vm4 =	vne.s32 v3, v2;
	_ =	sdelay $0x4  }
0xdd: {  	[tilespmem:v2+s7+$0x0] =	vst.idx.add.f32.msk $0xffff, v1  }
0xde: {  	[tilespmem:v3+s7+$0x0] =	vst.idx.add.f32.msk vm4, v1  }
0xdf: {  	v2 =	vld [tilespmem:$0x510]  }
0xe0: {  	v3 =	vld [tilespmem:$0x590];
	_ =	sdelay $0x4  }
0xe1: {  	vm5 =	vne.s32 v3, v2;
	_ =	sdelay $0x4  }
0xe2: {  	[tilespmem:v2+s7+$0x0] =	vst.idx.add.f32.msk $0xffff, v1  }
0xe3: {  	[tilespmem:v3+s7+$0x0] =	vst.idx.add.f32.msk vm5, v1  }
0xe4: {  	v2 =	vld [tilespmem:$0x520]  }
0xe5: {  	v3 =	vld [tilespmem:$0x5A0];
	_ =	sdelay $0x4  }
0xe6: {  	vm6 =	vne.s32 v3, v2;
	_ =	sdelay $0x4  }
0xe7: {  	[tilespmem:v2+s7+$0x0] =	vst.idx.add.f32.msk $0xffff, v1  }
0xe8: {  	[tilespmem:v3+s7+$0x0] =	vst.idx.add.f32.msk vm6, v1  }
0xe9: {  	v2 =	vld [tilespmem:$0x530]  }
0xea: {  	v3 =	vld [tilespmem:$0x5B0];
	_ =	sdelay $0x4  }
0xeb: {  	vm7 =	vne.s32 v3, v2;
	_ =	sdelay $0x4  }
0xec: {  	[tilespmem:v2+s7+$0x0] =	vst.idx.add.f32.msk $0xffff, v1  }
0xed: {  	[tilespmem:v3+s7+$0x0] =	vst.idx.add.f32.msk vm7, v1  }
0xee: {  	v2 =	vld [tilespmem:$0x540]  }
0xef: {  	v3 =	vld [tilespmem:$0x5C0];
	_ =	sdelay $0x4  }
0xf0: {  	vm8 =	vne.s32 v3, v2;
	_ =	sdelay $0x4  }
0xf1: {  	[tilespmem:v2+s7+$0x0] =	vst.idx.add.f32.msk $0xffff, v1  }
0xf2: {  	[tilespmem:v3+s7+$0x0] =	vst.idx.add.f32.msk vm8, v1  }
0xf3: {  	v2 =	vld [tilespmem:$0x550]  }
0xf4: {  	v3 =	vld [tilespmem:$0x5D0];
	_ =	sdelay $0x4  }
0xf5: {  	vm9 =	vne.s32 v3, v2;
	_ =	sdelay $0x4  }
0xf6: {  	[tilespmem:v2+s7+$0x0] =	vst.idx.add.f32.msk $0xffff, v1  }
0xf7: {  	[tilespmem:v3+s7+$0x0] =	vst.idx.add.f32.msk vm9, v1  }
0xf8: {  	v2 =	vld [tilespmem:$0x560]  }
0xf9: {  	v3 =	vld [tilespmem:$0x5E0];
	_ =	sdelay $0x4  }
0xfa: {  	vm10 =	vne.s32 v3, v2;
	_ =	sdelay $0x4  }
0xfb: {  	[tilespmem:v2+s7+$0x0] =	vst.idx.add.f32.msk $0xffff, v1  }
0xfc: {  	[tilespmem:v3+s7+$0x0] =	vst.idx.add.f32.msk vm10, v1  }
0xfd: {  	v2 =	vld [tilespmem:$0x570]  }
0xfe: {  	v3 =	vld [tilespmem:$0x5F0];
	_ =	sdelay $0x4  }
0xff: {  	vm11 =	vne.s32 v3, v2;
	_ =	sdelay $0x4  }
0x100: {  	[tilespmem:v2+s7+$0x0] =	vst.idx.add.f32.msk $0xffff, v1  }
0x101: {  	[tilespmem:v3+s7+$0x0] =	vst.idx.add.f32.msk vm11, v1  }
0x102: {  	v2 =	vld [tilespmem:$0x600]  }
0x103: {  	v3 =	vld [tilespmem:$0x680];
	_ =	sdelay $0x4  }
0x104: {  	vm12 =	vne.s32 v3, v2;
	_ =	sdelay $0x4  }
0x105: {  	[tilespmem:v2+s7+$0x0] =	vst.idx.add.f32.msk $0xffff, v1  }
0x106: {  	[tilespmem:v3+s7+$0x0] =	vst.idx.add.f32.msk vm12, v1  }
0x107: {  	v2 =	vld [tilespmem:$0x610]  }
0x108: {  	v3 =	vld [tilespmem:$0x690];
	_ =	sdelay $0x4  }
0x109: {  	vm13 =	vne.s32 v3, v2;
	_ =	sdelay $0x4  }
0x10a: {  	[tilespmem:v2+s7+$0x0] =	vst.idx.add.f32.msk $0xffff, v1  }
0x10b: {  	[tilespmem:v3+s7+$0x0] =	vst.idx.add.f32.msk vm13, v1  }
0x10c: {  	v2 =	vld [tilespmem:$0x620]  }
0x10d: {  	v3 =	vld [tilespmem:$0x6A0];
	_ =	sdelay $0x4  }
0x10e: {  	vm14 =	vne.s32 v3, v2;
	_ =	sdelay $0x4  }
0x10f: {  	[tilespmem:v2+s7+$0x0] =	vst.idx.add.f32.msk $0xffff, v1  }
0x110: {  	[tilespmem:v3+s7+$0x0] =	vst.idx.add.f32.msk vm14, v1  }
0x111: {  	v2 =	vld [tilespmem:$0x630]  }
0x112: {  	v3 =	vld [tilespmem:$0x6B0];
	_ =	sdelay $0x4  }
0x113: {  	vm15 =	vne.s32 v3, v2;
	_ =	sdelay $0x4  }
0x114: {  	[tilespmem:v2+s7+$0x0] =	vst.idx.add.f32.msk $0xffff, v1  }
0x115: {  	[tilespmem:v3+s7+$0x0] =	vst.idx.add.f32.msk vm15, v1  }
0x116: {  	v2 =	vld [tilespmem:$0x640]  }
0x117: {  	v3 =	vld [tilespmem:$0x6C0];
	_ =	sdelay $0x4  }
0x118: {  	vm4 =	vne.s32 v3, v2;
	_ =	sdelay $0x4  }
0x119: {  	[tilespmem:v2+s7+$0x0] =	vst.idx.add.f32.msk $0xffff, v1  }
0x11a: {  	[tilespmem:v3+s7+$0x0] =	vst.idx.add.f32.msk vm4, v1  }
0x11b: {  	v2 =	vld [tilespmem:$0x650]  }
0x11c: {  	v3 =	vld [tilespmem:$0x6D0];
	_ =	sdelay $0x4  }
0x11d: {  	vm5 =	vne.s32 v3, v2;
	_ =	sdelay $0x4  }
0x11e: {  	[tilespmem:v2+s7+$0x0] =	vst.idx.add.f32.msk $0xffff, v1  }
0x11f: {  	[tilespmem:v3+s7+$0x0] =	vst.idx.add.f32.msk vm5, v1  }
0x120: {  	v2 =	vld [tilespmem:$0x660]  }
0x121: {  	v3 =	vld [tilespmem:$0x6E0];
	_ =	sdelay $0x4  }
0x122: {  	vm6 =	vne.s32 v3, v2;
	_ =	sdelay $0x4  }
0x123: {  	[tilespmem:v2+s7+$0x0] =	vst.idx.add.f32.msk $0xffff, v1  }
0x124: {  	[tilespmem:v3+s7+$0x0] =	vst.idx.add.f32.msk vm6, v1  }
0x125: {  	v2 =	vld [tilespmem:$0x670]  }
0x126: {  	v3 =	vld [tilespmem:$0x6F0];
	_ =	sdelay $0x4  }
0x127: {  	vm7 =	vne.s32 v3, v2;
	_ =	sdelay $0x4  }
0x128: {  	[tilespmem:v2+s7+$0x0] =	vst.idx.add.f32.msk $0xffff, v1  }
0x129: {  	[tilespmem:v3+s7+$0x0] =	vst.idx.add.f32.msk vm7, v1  }
0x12a: {  	v2 =	vld [tilespmem:$0x700]  }
0x12b: {  	v3 =	vld [tilespmem:$0x780];
	_ =	sdelay $0x4  }
0x12c: {  	vm8 =	vne.s32 v3, v2;
	_ =	sdelay $0x4  }
0x12d: {  	[tilespmem:v2+s7+$0x0] =	vst.idx.add.f32.msk $0xffff, v1  }
0x12e: {  	[tilespmem:v3+s7+$0x0] =	vst.idx.add.f32.msk vm8, v1  }
0x12f: {  	v2 =	vld [tilespmem:$0x710]  }
0x130: {  	v3 =	vld [tilespmem:$0x790];
	_ =	sdelay $0x4  }
0x131: {  	vm9 =	vne.s32 v3, v2;
	_ =	sdelay $0x4  }
0x132: {  	[tilespmem:v2+s7+$0x0] =	vst.idx.add.f32.msk $0xffff, v1  }
0x133: {  	[tilespmem:v3+s7+$0x0] =	vst.idx.add.f32.msk vm9, v1  }
0x134: {  	v2 =	vld [tilespmem:$0x720]  }
0x135: {  	v3 =	vld [tilespmem:$0x7A0];
	_ =	sdelay $0x4  }
0x136: {  	vm10 =	vne.s32 v3, v2;
	_ =	sdelay $0x4  }
0x137: {  	[tilespmem:v2+s7+$0x0] =	vst.idx.add.f32.msk $0xffff, v1  }
0x138: {  	[tilespmem:v3+s7+$0x0] =	vst.idx.add.f32.msk vm10, v1  }
0x139: {  	v2 =	vld [tilespmem:$0x730]  }
0x13a: {  	v3 =	vld [tilespmem:$0x7B0];
	_ =	sdelay $0x4  }
0x13b: {  	vm11 =	vne.s32 v3, v2;
	_ =	sdelay $0x4  }
0x13c: {  	[tilespmem:v2+s7+$0x0] =	vst.idx.add.f32.msk $0xffff, v1  }
0x13d: {  	[tilespmem:v3+s7+$0x0] =	vst.idx.add.f32.msk vm11, v1  }
0x13e: {  	v2 =	vld [tilespmem:$0x740]  }
0x13f: {  	v3 =	vld [tilespmem:$0x7C0];
	_ =	sdelay $0x4  }
0x140: {  	vm12 =	vne.s32 v3, v2;
	_ =	sdelay $0x4  }
0x141: {  	[tilespmem:v2+s7+$0x0] =	vst.idx.add.f32.msk $0xffff, v1  }
0x142: {  	[tilespmem:v3+s7+$0x0] =	vst.idx.add.f32.msk vm12, v1  }
0x143: {  	v2 =	vld [tilespmem:$0x750]  }
0x144: {  	v3 =	vld [tilespmem:$0x7D0];
	_ =	sdelay $0x4  }
0x145: {  	vm13 =	vne.s32 v3, v2;
	_ =	sdelay $0x4  }
0x146: {  	[tilespmem:v2+s7+$0x0] =	vst.idx.add.f32.msk $0xffff, v1  }
0x147: {  	[tilespmem:v3+s7+$0x0] =	vst.idx.add.f32.msk vm13, v1  }
0x148: {  	v2 =	vld [tilespmem:$0x760]  }
0x149: {  	v3 =	vld [tilespmem:$0x7E0];
	_ =	sdelay $0x4  }
0x14a: {  	vm14 =	vne.s32 v3, v2;
	_ =	sdelay $0x4  }
0x14b: {  	[tilespmem:v2+s7+$0x0] =	vst.idx.add.f32.msk $0xffff, v1  }
0x14c: {  	[tilespmem:v3+s7+$0x0] =	vst.idx.add.f32.msk vm14, v1  }
0x14d: {  	v2 =	vld [tilespmem:$0x770]  }
0x14e: {  	v3 =	vld [tilespmem:$0x7F0];
	_ =	sdelay $0x4  }
0x14f: {  	vm15 =	vne.s32 v3, v2;
	_ =	sdelay $0x4  }
0x150: {  	p0 =	sne.s32 s5, $0x1;
	[tilespmem:v2+s7+$0x0] =	vst.idx.add.f32.msk $0xffff, v1  }
.Ltmp0:
0x151: {  	[tilespmem:v3+s7+$0x0] =	vst.idx.add.f32.msk vm15, v1;
	(pc) =	sbr.rel @p0 .LBB2_1-.Ltmp0, $4  }
0x152: {  	[hbm4b:s4+s2] =	stream.linear.scatter [tilespmem:s7], [sflag:$0x1], $0x80, $0x38;
	[tilespmem:$0x880] =	vst v63  }
0x153: {  	_ =	swait.ge [sflag:s6], $0x80  }
0x154: {  	[sflag:s6] =	ssyncset.done $0x0  }
0x155: {  	s5 =	sadd.s32 $0xFFFFFFFF, s5;
	[sflag:s6] =	ssyncadd.s32 $0xFFFFFF80  }
0x156: {  	_ =	sfence.sel $0x180000  }
0x157: {  	[bflag:$0x0] =	sbarrier.arrive $0xFFFF  }
0x158: {  	p0 =	sne.s32 s0, $0x0;
	_ =	strace $0x90000047  }
0x159: {  	s0 =	sadd.s32 @!p0 $0x100000, s1;
	[bflag:$0x2] =	sbarrier.arrive $0xFFFF  }
0x15a: {  	[sflag:s0] =	ssyncadd.tile.s32 @!p0 $0x1;
	_ =	shalt  }
.Lfunc_end2:
_tile_overlayer_lowered:
.L_overlay_start_2:
0x15b: {  	(tag) =	ssettag $0x2  }
0x15c: {  	s0 =	rddreg [dreg:$0x0];
	s2 =	stileid.u32  }
0x15d: {  	s1 =	rddreg [dreg:$0x1];
	p0 =	sne.s32 s2, $0x0  }
0x15e: {  	s3 =	rddreg [dreg:$0x2];
	[bflag:$0x3] =	sbarrier.arrive $0xFFFF;
	s2 =	simm.s32 @!p0 $0x1C01  }
0x15f: {  	[timem:s3], [sflag:s2] =	dma.local @!p0 [hbm:s0], s1  }
0x160: {  	s0 =	simm.s32 @!p0 $0x1  }
0x161: {  	_ =	swait.ge @!p0 [sflag:s0], s1  }
0x162: {  	s1 =	ssub.s32 @!p0 $0x0, s1;
	[sflag:s0] =	ssyncset.done @!p0 $0x0  }
0x163: {  	[sflag:s0] =	ssyncadd.s32 @!p0 s1  }
0x164: {  	[bflag:$0x3] =	sbarrier.arrive $0xFFFF  }
0x165: {  	_ =	shalt  }

</sc_bundles>
